<compile_context>
chip_gen: v7x
topology: tpu7x:2x2x1
jax: 0.10.2.dev20260603
libtpu: 0.0.44.dev20260713+nightly
codegen_flags: <defaults>
</compile_context>

<pallas_src>
import jax
import jax.numpy as jnp
from jax import lax
from jax.experimental import pallas as pl
from jax.experimental.pallas import tpu as pltpu
from jax.experimental.pallas import tpu_sc as plsc

_B = 16384
_D = 64
_NC = 2
_NS = 16
_NW = _NC * _NS
_BPW = _B // _NW
_CHUNK = 128
_NCHUNK = _BPW // _CHUNK
_L = 16
_GROUPS = _BPW // _L


def _mf_body(user_hbm, item_hbm, uid_hbm, iid_hbm, out_hbm,
             uidx_v, iidx_v, urows_v, irows_v, part_v, out_v, sem_u, sem_v):
    wid = lax.axis_index("s") * _NC + lax.axis_index("c")
    base = wid * _BPW

    for c in range(_NCHUNK):
        pltpu.sync_copy(uid_hbm.at[pl.ds(base + c * _CHUNK, _CHUNK)], uidx_v.at[c])
        pltpu.sync_copy(iid_hbm.at[pl.ds(base + c * _CHUNK, _CHUNK)], iidx_v.at[c])

    copies = []
    for c in range(_NCHUNK):
        copies.append(pltpu.async_copy(
            user_hbm.at[uidx_v.at[c]], urows_v.at[pl.ds(c * _CHUNK, _CHUNK)], sem_u))
        copies.append(pltpu.async_copy(
            item_hbm.at[iidx_v.at[c]], irows_v.at[pl.ds(c * _CHUNK, _CHUNK)], sem_v))
    for cp in copies:
        cp.wait()

    lanes = lax.iota(jnp.int32, 16)

    def group_body(g, carry):
        row0 = g * _L
        for r in range(_L):
            row = row0 + r
            acc = urows_v[row, pl.ds(0, 16)] * irows_v[row, pl.ds(0, 16)]
            for c in range(1, _D // 16):
                acc = acc + (urows_v[row, pl.ds(c * 16, 16)]
                             * irows_v[row, pl.ds(c * 16, 16)])
            part_v[r] = acc
        s = jnp.zeros((16,), jnp.float32)
        for col in range(_L):
            s = s + plsc.load_gather(
                part_v, [lanes, jnp.full((16,), col, jnp.int32)])
        out_v[pl.ds(row0, _L)] = s
        return carry

    lax.fori_loop(0, _GROUPS, group_body, 0)
    pltpu.sync_copy(out_v, out_hbm.at[pl.ds(base, _BPW)])


def kernel(user_table, item_table, user_ids, item_ids):
    mesh = plsc.VectorSubcoreMesh(core_axis_name="c", subcore_axis_name="s")
    k = pl.kernel(
        _mf_body,
        mesh=mesh,
        out_type=jax.ShapeDtypeStruct((_B,), jnp.float32),
        scratch_types=[
            pltpu.VMEM((_NCHUNK, _CHUNK), jnp.int32),
            pltpu.VMEM((_NCHUNK, _CHUNK), jnp.int32),
            pltpu.VMEM((_BPW, _D), jnp.float32),
            pltpu.VMEM((_BPW, _D), jnp.float32),
            pltpu.VMEM((_L, _L), jnp.float32),
            pltpu.VMEM((_BPW,), jnp.float32),
            pltpu.SemaphoreType.DMA,
            pltpu.SemaphoreType.DMA,
        ],
        compiler_params=pltpu.CompilerParams(
            needs_layout_passes=False, use_tc_tiling_on_sc=False),
    )
    return k(user_table, item_table,
             user_ids.astype(jnp.int32), item_ids.astype(jnp.int32))

# --- scband reference (transcript-rebuilt; emitter-appended) ---
"""Pipeline reference for scband-matrix-factorization-8864812499694 (READ-ONLY COPY).

The authoritative reference and input builder live on the scoring server;
editing this copy changes nothing except your own understanding.
"""

import jax, jax.numpy as jnp
import numpy as np

NUM_USERS = 100000
NUM_ITEMS = 100000
EMB_DIM = 64
BATCH = 16384

def setup_inputs(seed: int = 0) -> dict:
    key = jax.random.key(seed)
    k1, k2, k3, k4 = jax.random.split(key, 4)
    user_table = jax.random.normal(k1, (NUM_USERS, EMB_DIM), dtype=jnp.float32) * 0.01
    item_table = jax.random.normal(k2, (NUM_ITEMS, EMB_DIM), dtype=jnp.float32) * 0.01
    user_ids = jax.random.randint(k3, (BATCH,), 0, NUM_USERS, dtype=jnp.int64 if jax.config.jax_enable_x64 else jnp.int32)
    item_ids = jax.random.randint(k4, (BATCH,), 0, NUM_ITEMS, dtype=jnp.int64 if jax.config.jax_enable_x64 else jnp.int32)
    return {"user_table": user_table, "item_table": item_table, "user_ids": user_ids, "item_ids": item_ids}

def reference(user_table, item_table, user_ids, item_ids):
    # Matrix factorization forward: score = <user_emb, item_emb>
    u = jnp.take(user_table, user_ids, axis=0)  # [B, D] gather
    v = jnp.take(item_table, item_ids, axis=0)  # [B, D] gather
    scores = jnp.sum(u * v, axis=-1)            # [B]
    return scores

if __name__ == "__main__":
    import jax
    _d = setup_inputs()
    print(jax.jit(kernel)(*tuple(_d.values())))

</pallas_src>

<mosaic_0001>
#map = affine_map<(d0, d1) -> (0, 0)>
#map1 = affine_map<(d0, d1) -> (0)>
module attributes {stable_mosaic.version = 14 : i64} {
  func.func @_mf_body(%arg0: i32, %arg1: i32, %arg2: memref<100000x64xf32, #tpu.memory_space<hbm>>, %arg3: memref<100000x64xf32, #tpu.memory_space<hbm>>, %arg4: memref<16384xi32, #tpu.memory_space<hbm>>, %arg5: memref<16384xi32, #tpu.memory_space<hbm>>, %arg6: memref<16384xf32, #tpu.memory_space<hbm>>, %arg7: memref<4x128xi32, #tpu.memory_space<vmem>>, %arg8: memref<4x128xi32, #tpu.memory_space<vmem>>, %arg9: memref<512x64xf32, #tpu.memory_space<vmem>>, %arg10: memref<512x64xf32, #tpu.memory_space<vmem>>, %arg11: memref<16x16xf32, #tpu.memory_space<vmem>>, %arg12: memref<512xf32, #tpu.memory_space<vmem>>, %arg13: memref<!tpu.dma_semaphore, #tpu.memory_space<semaphore_mem>>, %arg14: memref<!tpu.dma_semaphore, #tpu.memory_space<semaphore_mem>>) attributes {dimension_semantics = [#tpu.dimension_semantics<core_parallel>, #tpu.dimension_semantics<subcore_parallel>], iteration_bounds = array<i64: 2, 16>, scalar_prefetch = 0 : i64, scratch_operands = 8 : i64, tpu.core_type = #tpu.core_type<sc_vector_subcore>, window_params = [{transform_indices = #map}, {transform_indices = #map}, {transform_indices = #map1}, {transform_indices = #map1}, {transform_indices = #map1}]} {
    %mul3A = arith.constant 2 : i32
    %mul3A_0 = arith.muli %arg1, %mul3A : i32
    %add3A = arith.addi %mul3A_0, %arg0 : i32
    %mul3A_1 = arith.constant 512 : i32
    %mul3A_2 = arith.muli %add3A, %mul3A_1 : i32
    %add3A_3 = arith.constant 0 : i32
    %add3A_4 = arith.addi %mul3A_2, %add3A_3 : i32
    %run_scoped3A = arith.constant 0 : i32
    "tpu.region"() ({
      %run_scoped3A_189 = tpu.sem_alloc : memref<!tpu.dma_semaphore, #tpu.memory_space<semaphore_mem>>
      %dma_start3A_190 = arith.constant 0 : i32
      %dma_start3A_191 = tpu.memref_slice %arg7[%run_scoped3A, %dma_start3A_190] : memref<4x128xi32, #tpu.memory_space<vmem>> -> memref<1x128xi32, #tpu.memory_space<vmem>>
      %dma_start3A_192 = tpu.memref_squeeze %dma_start3A_191 : memref<1x128xi32, #tpu.memory_space<vmem>> -> memref<128xi32, #tpu.memory_space<vmem>>
      %dma_start3A_193 = tpu.memref_slice %arg4[%add3A_4] : memref<16384xi32, #tpu.memory_space<hbm>> -> memref<128xi32, #tpu.memory_space<hbm>>
      %dma_start3A_194 = arith.constant 0 : i32
      %dma_start3A_195 = tpu.memref_slice %arg7[%run_scoped3A, %dma_start3A_194] : memref<4x128xi32, #tpu.memory_space<vmem>> -> memref<1x128xi32, #tpu.memory_space<vmem>>
      %dma_start3A_196 = tpu.memref_squeeze %dma_start3A_195 : memref<1x128xi32, #tpu.memory_space<vmem>> -> memref<128xi32, #tpu.memory_space<vmem>>
      %dma_start3A_197 = tpu.memref_slice %arg4[%add3A_4] : memref<16384xi32, #tpu.memory_space<hbm>> -> memref<128xi32, #tpu.memory_space<hbm>>
      tpu.enqueue_dma source(%dma_start3A_197 : memref<128xi32, #tpu.memory_space<hbm>>) target(%dma_start3A_196 : memref<128xi32, #tpu.memory_space<vmem>>) target_semaphore(%run_scoped3A_189 : memref<!tpu.dma_semaphore, #tpu.memory_space<semaphore_mem>>)
      %dma_wait3A_198 = arith.constant 0 : i32
      %dma_wait3A_199 = tpu.memref_slice %arg7[%run_scoped3A, %dma_wait3A_198] : memref<4x128xi32, #tpu.memory_space<vmem>> -> memref<1x128xi32, #tpu.memory_space<vmem>>
      %dma_wait3A_200 = tpu.memref_squeeze %dma_wait3A_199 : memref<1x128xi32, #tpu.memory_space<vmem>> -> memref<128xi32, #tpu.memory_space<vmem>>
      %dma_wait3A_201 = tpu.memref_slice %arg4[%add3A_4] : memref<16384xi32, #tpu.memory_space<hbm>> -> memref<128xi32, #tpu.memory_space<hbm>>
      %dma_wait3A_202 = arith.constant 0 : i32
      %dma_wait3A_203 = tpu.memref_slice %arg7[%run_scoped3A, %dma_wait3A_202] : memref<4x128xi32, #tpu.memory_space<vmem>> -> memref<1x128xi32, #tpu.memory_space<vmem>>
      %dma_wait3A_204 = tpu.memref_squeeze %dma_wait3A_203 : memref<1x128xi32, #tpu.memory_space<vmem>> -> memref<128xi32, #tpu.memory_space<vmem>>
      %dma_wait3A_205 = tpu.memref_slice %arg4[%add3A_4] : memref<16384xi32, #tpu.memory_space<hbm>> -> memref<128xi32, #tpu.memory_space<hbm>>
      tpu.wait_dma2 semaphore(%run_scoped3A_189 : memref<!tpu.dma_semaphore, #tpu.memory_space<semaphore_mem>>) src(%dma_wait3A_205 : memref<128xi32, #tpu.memory_space<hbm>>) dst(%dma_wait3A_204 : memref<128xi32, #tpu.memory_space<vmem>>)
      tpu.yield
    }) : () -> ()
    %add3A_5 = arith.constant 0 : i32
    %add3A_6 = arith.addi %mul3A_2, %add3A_5 : i32
    %run_scoped3A_7 = arith.constant 0 : i32
    "tpu.region"() ({
      %run_scoped3A_189 = tpu.sem_alloc : memref<!tpu.dma_semaphore, #tpu.memory_space<semaphore_mem>>
      %dma_start3A_190 = arith.constant 0 : i32
      %dma_start3A_191 = tpu.memref_slice %arg8[%run_scoped3A_7, %dma_start3A_190] : memref<4x128xi32, #tpu.memory_space<vmem>> -> memref<1x128xi32, #tpu.memory_space<vmem>>
      %dma_start3A_192 = tpu.memref_squeeze %dma_start3A_191 : memref<1x128xi32, #tpu.memory_space<vmem>> -> memref<128xi32, #tpu.memory_space<vmem>>
      %dma_start3A_193 = tpu.memref_slice %arg5[%add3A_6] : memref<16384xi32, #tpu.memory_space<hbm>> -> memref<128xi32, #tpu.memory_space<hbm>>
      %dma_start3A_194 = arith.constant 0 : i32
      %dma_start3A_195 = tpu.memref_slice %arg8[%run_scoped3A_7, %dma_start3A_194] : memref<4x128xi32, #tpu.memory_space<vmem>> -> memref<1x128xi32, #tpu.memory_space<vmem>>
      %dma_start3A_196 = tpu.memref_squeeze %dma_start3A_195 : memref<1x128xi32, #tpu.memory_space<vmem>> -> memref<128xi32, #tpu.memory_space<vmem>>
      %dma_start3A_197 = tpu.memref_slice %arg5[%add3A_6] : memref<16384xi32, #tpu.memory_space<hbm>> -> memref<128xi32, #tpu.memory_space<hbm>>
      tpu.enqueue_dma source(%dma_start3A_197 : memref<128xi32, #tpu.memory_space<hbm>>) target(%dma_start3A_196 : memref<128xi32, #tpu.memory_space<vmem>>) target_semaphore(%run_scoped3A_189 : memref<!tpu.dma_semaphore, #tpu.memory_space<semaphore_mem>>)
      %dma_wait3A_198 = arith.constant 0 : i32
      %dma_wait3A_199 = tpu.memref_slice %arg8[%run_scoped3A_7, %dma_wait3A_198] : memref<4x128xi32, #tpu.memory_space<vmem>> -> memref<1x128xi32, #tpu.memory_space<vmem>>
      %dma_wait3A_200 = tpu.memref_squeeze %dma_wait3A_199 : memref<1x128xi32, #tpu.memory_space<vmem>> -> memref<128xi32, #tpu.memory_space<vmem>>
      %dma_wait3A_201 = tpu.memref_slice %arg5[%add3A_6] : memref<16384xi32, #tpu.memory_space<hbm>> -> memref<128xi32, #tpu.memory_space<hbm>>
      %dma_wait3A_202 = arith.constant 0 : i32
      %dma_wait3A_203 = tpu.memref_slice %arg8[%run_scoped3A_7, %dma_wait3A_202] : memref<4x128xi32, #tpu.memory_space<vmem>> -> memref<1x128xi32, #tpu.memory_space<vmem>>
      %dma_wait3A_204 = tpu.memref_squeeze %dma_wait3A_203 : memref<1x128xi32, #tpu.memory_space<vmem>> -> memref<128xi32, #tpu.memory_space<vmem>>
      %dma_wait3A_205 = tpu.memref_slice %arg5[%add3A_6] : memref<16384xi32, #tpu.memory_space<hbm>> -> memref<128xi32, #tpu.memory_space<hbm>>
      tpu.wait_dma2 semaphore(%run_scoped3A_189 : memref<!tpu.dma_semaphore, #tpu.memory_space<semaphore_mem>>) src(%dma_wait3A_205 : memref<128xi32, #tpu.memory_space<hbm>>) dst(%dma_wait3A_204 : memref<128xi32, #tpu.memory_space<vmem>>)
      tpu.yield
    }) : () -> ()
    %add3A_8 = arith.constant 128 : i32
    %add3A_9 = arith.addi %mul3A_2, %add3A_8 : i32
    %run_scoped3A_10 = arith.constant 1 : i32
    "tpu.region"() ({
      %run_scoped3A_189 = tpu.sem_alloc : memref<!tpu.dma_semaphore, #tpu.memory_space<semaphore_mem>>
      %dma_start3A_190 = arith.constant 0 : i32
      %dma_start3A_191 = tpu.memref_slice %arg7[%run_scoped3A_10, %dma_start3A_190] : memref<4x128xi32, #tpu.memory_space<vmem>> -> memref<1x128xi32, #tpu.memory_space<vmem>>
      %dma_start3A_192 = tpu.memref_squeeze %dma_start3A_191 : memref<1x128xi32, #tpu.memory_space<vmem>> -> memref<128xi32, #tpu.memory_space<vmem>>
      %dma_start3A_193 = tpu.memref_slice %arg4[%add3A_9] : memref<16384xi32, #tpu.memory_space<hbm>> -> memref<128xi32, #tpu.memory_space<hbm>>
      %dma_start3A_194 = arith.constant 0 : i32
      %dma_start3A_195 = tpu.memref_slice %arg7[%run_scoped3A_10, %dma_start3A_194] : memref<4x128xi32, #tpu.memory_space<vmem>> -> memref<1x128xi32, #tpu.memory_space<vmem>>
      %dma_start3A_196 = tpu.memref_squeeze %dma_start3A_195 : memref<1x128xi32, #tpu.memory_space<vmem>> -> memref<128xi32, #tpu.memory_space<vmem>>
      %dma_start3A_197 = tpu.memref_slice %arg4[%add3A_9] : memref<16384xi32, #tpu.memory_space<hbm>> -> memref<128xi32, #tpu.memory_space<hbm>>
      tpu.enqueue_dma source(%dma_start3A_197 : memref<128xi32, #tpu.memory_space<hbm>>) target(%dma_start3A_196 : memref<128xi32, #tpu.memory_space<vmem>>) target_semaphore(%run_scoped3A_189 : memref<!tpu.dma_semaphore, #tpu.memory_space<semaphore_mem>>)
      %dma_wait3A_198 = arith.constant 0 : i32
      %dma_wait3A_199 = tpu.memref_slice %arg7[%run_scoped3A_10, %dma_wait3A_198] : memref<4x128xi32, #tpu.memory_space<vmem>> -> memref<1x128xi32, #tpu.memory_space<vmem>>
      %dma_wait3A_200 = tpu.memref_squeeze %dma_wait3A_199 : memref<1x128xi32, #tpu.memory_space<vmem>> -> memref<128xi32, #tpu.memory_space<vmem>>
      %dma_wait3A_201 = tpu.memref_slice %arg4[%add3A_9] : memref<16384xi32, #tpu.memory_space<hbm>> -> memref<128xi32, #tpu.memory_space<hbm>>
      %dma_wait3A_202 = arith.constant 0 : i32
      %dma_wait3A_203 = tpu.memref_slice %arg7[%run_scoped3A_10, %dma_wait3A_202] : memref<4x128xi32, #tpu.memory_space<vmem>> -> memref<1x128xi32, #tpu.memory_space<vmem>>
      %dma_wait3A_204 = tpu.memref_squeeze %dma_wait3A_203 : memref<1x128xi32, #tpu.memory_space<vmem>> -> memref<128xi32, #tpu.memory_space<vmem>>
      %dma_wait3A_205 = tpu.memref_slice %arg4[%add3A_9] : memref<16384xi32, #tpu.memory_space<hbm>> -> memref<128xi32, #tpu.memory_space<hbm>>
      tpu.wait_dma2 semaphore(%run_scoped3A_189 : memref<!tpu.dma_semaphore, #tpu.memory_space<semaphore_mem>>) src(%dma_wait3A_205 : memref<128xi32, #tpu.memory_space<hbm>>) dst(%dma_wait3A_204 : memref<128xi32, #tpu.memory_space<vmem>>)
      tpu.yield
    }) : () -> ()
    %add3A_11 = arith.constant 128 : i32
    %add3A_12 = arith.addi %mul3A_2, %add3A_11 : i32
    %run_scoped3A_13 = arith.constant 1 : i32
    "tpu.region"() ({
      %run_scoped3A_189 = tpu.sem_alloc : memref<!tpu.dma_semaphore, #tpu.memory_space<semaphore_mem>>
      %dma_start3A_190 = arith.constant 0 : i32
      %dma_start3A_191 = tpu.memref_slice %arg8[%run_scoped3A_13, %dma_start3A_190] : memref<4x128xi32, #tpu.memory_space<vmem>> -> memref<1x128xi32, #tpu.memory_space<vmem>>
      %dma_start3A_192 = tpu.memref_squeeze %dma_start3A_191 : memref<1x128xi32, #tpu.memory_space<vmem>> -> memref<128xi32, #tpu.memory_space<vmem>>
      %dma_start3A_193 = tpu.memref_slice %arg5[%add3A_12] : memref<16384xi32, #tpu.memory_space<hbm>> -> memref<128xi32, #tpu.memory_space<hbm>>
      %dma_start3A_194 = arith.constant 0 : i32
      %dma_start3A_195 = tpu.memref_slice %arg8[%run_scoped3A_13, %dma_start3A_194] : memref<4x128xi32, #tpu.memory_space<vmem>> -> memref<1x128xi32, #tpu.memory_space<vmem>>
      %dma_start3A_196 = tpu.memref_squeeze %dma_start3A_195 : memref<1x128xi32, #tpu.memory_space<vmem>> -> memref<128xi32, #tpu.memory_space<vmem>>
      %dma_start3A_197 = tpu.memref_slice %arg5[%add3A_12] : memref<16384xi32, #tpu.memory_space<hbm>> -> memref<128xi32, #tpu.memory_space<hbm>>
      tpu.enqueue_dma source(%dma_start3A_197 : memref<128xi32, #tpu.memory_space<hbm>>) target(%dma_start3A_196 : memref<128xi32, #tpu.memory_space<vmem>>) target_semaphore(%run_scoped3A_189 : memref<!tpu.dma_semaphore, #tpu.memory_space<semaphore_mem>>)
      %dma_wait3A_198 = arith.constant 0 : i32
      %dma_wait3A_199 = tpu.memref_slice %arg8[%run_scoped3A_13, %dma_wait3A_198] : memref<4x128xi32, #tpu.memory_space<vmem>> -> memref<1x128xi32, #tpu.memory_space<vmem>>
      %dma_wait3A_200 = tpu.memref_squeeze %dma_wait3A_199 : memref<1x128xi32, #tpu.memory_space<vmem>> -> memref<128xi32, #tpu.memory_space<vmem>>
      %dma_wait3A_201 = tpu.memref_slice %arg5[%add3A_12] : memref<16384xi32, #tpu.memory_space<hbm>> -> memref<128xi32, #tpu.memory_space<hbm>>
      %dma_wait3A_202 = arith.constant 0 : i32
      %dma_wait3A_203 = tpu.memref_slice %arg8[%run_scoped3A_13, %dma_wait3A_202] : memref<4x128xi32, #tpu.memory_space<vmem>> -> memref<1x128xi32, #tpu.memory_space<vmem>>
      %dma_wait3A_204 = tpu.memref_squeeze %dma_wait3A_203 : memref<1x128xi32, #tpu.memory_space<vmem>> -> memref<128xi32, #tpu.memory_space<vmem>>
      %dma_wait3A_205 = tpu.memref_slice %arg5[%add3A_12] : memref<16384xi32, #tpu.memory_space<hbm>> -> memref<128xi32, #tpu.memory_space<hbm>>
      tpu.wait_dma2 semaphore(%run_scoped3A_189 : memref<!tpu.dma_semaphore, #tpu.memory_space<semaphore_mem>>) src(%dma_wait3A_205 : memref<128xi32, #tpu.memory_space<hbm>>) dst(%dma_wait3A_204 : memref<128xi32, #tpu.memory_space<vmem>>)
      tpu.yield
    }) : () -> ()
    %add3A_14 = arith.constant 256 : i32
    %add3A_15 = arith.addi %mul3A_2, %add3A_14 : i32
    %run_scoped3A_16 = arith.constant 2 : i32
    "tpu.region"() ({
      %run_scoped3A_189 = tpu.sem_alloc : memref<!tpu.dma_semaphore, #tpu.memory_space<semaphore_mem>>
      %dma_start3A_190 = arith.constant 0 : i32
      %dma_start3A_191 = tpu.memref_slice %arg7[%run_scoped3A_16, %dma_start3A_190] : memref<4x128xi32, #tpu.memory_space<vmem>> -> memref<1x128xi32, #tpu.memory_space<vmem>>
      %dma_start3A_192 = tpu.memref_squeeze %dma_start3A_191 : memref<1x128xi32, #tpu.memory_space<vmem>> -> memref<128xi32, #tpu.memory_space<vmem>>
      %dma_start3A_193 = tpu.memref_slice %arg4[%add3A_15] : memref<16384xi32, #tpu.memory_space<hbm>> -> memref<128xi32, #tpu.memory_space<hbm>>
      %dma_start3A_194 = arith.constant 0 : i32
      %dma_start3A_195 = tpu.memref_slice %arg7[%run_scoped3A_16, %dma_start3A_194] : memref<4x128xi32, #tpu.memory_space<vmem>> -> memref<1x128xi32, #tpu.memory_space<vmem>>
      %dma_start3A_196 = tpu.memref_squeeze %dma_start3A_195 : memref<1x128xi32, #tpu.memory_space<vmem>> -> memref<128xi32, #tpu.memory_space<vmem>>
      %dma_start3A_197 = tpu.memref_slice %arg4[%add3A_15] : memref<16384xi32, #tpu.memory_space<hbm>> -> memref<128xi32, #tpu.memory_space<hbm>>
      tpu.enqueue_dma source(%dma_start3A_197 : memref<128xi32, #tpu.memory_space<hbm>>) target(%dma_start3A_196 : memref<128xi32, #tpu.memory_space<vmem>>) target_semaphore(%run_scoped3A_189 : memref<!tpu.dma_semaphore, #tpu.memory_space<semaphore_mem>>)
      %dma_wait3A_198 = arith.constant 0 : i32
      %dma_wait3A_199 = tpu.memref_slice %arg7[%run_scoped3A_16, %dma_wait3A_198] : memref<4x128xi32, #tpu.memory_space<vmem>> -> memref<1x128xi32, #tpu.memory_space<vmem>>
      %dma_wait3A_200 = tpu.memref_squeeze %dma_wait3A_199 : memref<1x128xi32, #tpu.memory_space<vmem>> -> memref<128xi32, #tpu.memory_space<vmem>>
      %dma_wait3A_201 = tpu.memref_slice %arg4[%add3A_15] : memref<16384xi32, #tpu.memory_space<hbm>> -> memref<128xi32, #tpu.memory_space<hbm>>
      %dma_wait3A_202 = arith.constant 0 : i32
      %dma_wait3A_203 = tpu.memref_slice %arg7[%run_scoped3A_16, %dma_wait3A_202] : memref<4x128xi32, #tpu.memory_space<vmem>> -> memref<1x128xi32, #tpu.memory_space<vmem>>
      %dma_wait3A_204 = tpu.memref_squeeze %dma_wait3A_203 : memref<1x128xi32, #tpu.memory_space<vmem>> -> memref<128xi32, #tpu.memory_space<vmem>>
      %dma_wait3A_205 = tpu.memref_slice %arg4[%add3A_15] : memref<16384xi32, #tpu.memory_space<hbm>> -> memref<128xi32, #tpu.memory_space<hbm>>
      tpu.wait_dma2 semaphore(%run_scoped3A_189 : memref<!tpu.dma_semaphore, #tpu.memory_space<semaphore_mem>>) src(%dma_wait3A_205 : memref<128xi32, #tpu.memory_space<hbm>>) dst(%dma_wait3A_204 : memref<128xi32, #tpu.memory_space<vmem>>)
      tpu.yield
    }) : () -> ()
    %add3A_17 = arith.constant 256 : i32
    %add3A_18 = arith.addi %mul3A_2, %add3A_17 : i32
    %run_scoped3A_19 = arith.constant 2 : i32
    "tpu.region"() ({
      %run_scoped3A_189 = tpu.sem_alloc : memref<!tpu.dma_semaphore, #tpu.memory_space<semaphore_mem>>
      %dma_start3A_190 = arith.constant 0 : i32
      %dma_start3A_191 = tpu.memref_slice %arg8[%run_scoped3A_19, %dma_start3A_190] : memref<4x128xi32, #tpu.memory_space<vmem>> -> memref<1x128xi32, #tpu.memory_space<vmem>>
      %dma_start3A_192 = tpu.memref_squeeze %dma_start3A_191 : memref<1x128xi32, #tpu.memory_space<vmem>> -> memref<128xi32, #tpu.memory_space<vmem>>
      %dma_start3A_193 = tpu.memref_slice %arg5[%add3A_18] : memref<16384xi32, #tpu.memory_space<hbm>> -> memref<128xi32, #tpu.memory_space<hbm>>
      %dma_start3A_194 = arith.constant 0 : i32
      %dma_start3A_195 = tpu.memref_slice %arg8[%run_scoped3A_19, %dma_start3A_194] : memref<4x128xi32, #tpu.memory_space<vmem>> -> memref<1x128xi32, #tpu.memory_space<vmem>>
      %dma_start3A_196 = tpu.memref_squeeze %dma_start3A_195 : memref<1x128xi32, #tpu.memory_space<vmem>> -> memref<128xi32, #tpu.memory_space<vmem>>
      %dma_start3A_197 = tpu.memref_slice %arg5[%add3A_18] : memref<16384xi32, #tpu.memory_space<hbm>> -> memref<128xi32, #tpu.memory_space<hbm>>
      tpu.enqueue_dma source(%dma_start3A_197 : memref<128xi32, #tpu.memory_space<hbm>>) target(%dma_start3A_196 : memref<128xi32, #tpu.memory_space<vmem>>) target_semaphore(%run_scoped3A_189 : memref<!tpu.dma_semaphore, #tpu.memory_space<semaphore_mem>>)
      %dma_wait3A_198 = arith.constant 0 : i32
      %dma_wait3A_199 = tpu.memref_slice %arg8[%run_scoped3A_19, %dma_wait3A_198] : memref<4x128xi32, #tpu.memory_space<vmem>> -> memref<1x128xi32, #tpu.memory_space<vmem>>
      %dma_wait3A_200 = tpu.memref_squeeze %dma_wait3A_199 : memref<1x128xi32, #tpu.memory_space<vmem>> -> memref<128xi32, #tpu.memory_space<vmem>>
      %dma_wait3A_201 = tpu.memref_slice %arg5[%add3A_18] : memref<16384xi32, #tpu.memory_space<hbm>> -> memref<128xi32, #tpu.memory_space<hbm>>
      %dma_wait3A_202 = arith.constant 0 : i32
      %dma_wait3A_203 = tpu.memref_slice %arg8[%run_scoped3A_19, %dma_wait3A_202] : memref<4x128xi32, #tpu.memory_space<vmem>> -> memref<1x128xi32, #tpu.memory_space<vmem>>
      %dma_wait3A_204 = tpu.memref_squeeze %dma_wait3A_203 : memref<1x128xi32, #tpu.memory_space<vmem>> -> memref<128xi32, #tpu.memory_space<vmem>>
      %dma_wait3A_205 = tpu.memref_slice %arg5[%add3A_18] : memref<16384xi32, #tpu.memory_space<hbm>> -> memref<128xi32, #tpu.memory_space<hbm>>
      tpu.wait_dma2 semaphore(%run_scoped3A_189 : memref<!tpu.dma_semaphore, #tpu.memory_space<semaphore_mem>>) src(%dma_wait3A_205 : memref<128xi32, #tpu.memory_space<hbm>>) dst(%dma_wait3A_204 : memref<128xi32, #tpu.memory_space<vmem>>)
      tpu.yield
    }) : () -> ()
    %add3A_20 = arith.constant 384 : i32
    %add3A_21 = arith.addi %mul3A_2, %add3A_20 : i32
    %run_scoped3A_22 = arith.constant 3 : i32
    "tpu.region"() ({
      %run_scoped3A_189 = tpu.sem_alloc : memref<!tpu.dma_semaphore, #tpu.memory_space<semaphore_mem>>
      %dma_start3A_190 = arith.constant 0 : i32
      %dma_start3A_191 = tpu.memref_slice %arg7[%run_scoped3A_22, %dma_start3A_190] : memref<4x128xi32, #tpu.memory_space<vmem>> -> memref<1x128xi32, #tpu.memory_space<vmem>>
      %dma_start3A_192 = tpu.memref_squeeze %dma_start3A_191 : memref<1x128xi32, #tpu.memory_space<vmem>> -> memref<128xi32, #tpu.memory_space<vmem>>
      %dma_start3A_193 = tpu.memref_slice %arg4[%add3A_21] : memref<16384xi32, #tpu.memory_space<hbm>> -> memref<128xi32, #tpu.memory_space<hbm>>
      %dma_start3A_194 = arith.constant 0 : i32
      %dma_start3A_195 = tpu.memref_slice %arg7[%run_scoped3A_22, %dma_start3A_194] : memref<4x128xi32, #tpu.memory_space<vmem>> -> memref<1x128xi32, #tpu.memory_space<vmem>>
      %dma_start3A_196 = tpu.memref_squeeze %dma_start3A_195 : memref<1x128xi32, #tpu.memory_space<vmem>> -> memref<128xi32, #tpu.memory_space<vmem>>
      %dma_start3A_197 = tpu.memref_slice %arg4[%add3A_21] : memref<16384xi32, #tpu.memory_space<hbm>> -> memref<128xi32, #tpu.memory_space<hbm>>
      tpu.enqueue_dma source(%dma_start3A_197 : memref<128xi32, #tpu.memory_space<hbm>>) target(%dma_start3A_196 : memref<128xi32, #tpu.memory_space<vmem>>) target_semaphore(%run_scoped3A_189 : memref<!tpu.dma_semaphore, #tpu.memory_space<semaphore_mem>>)
      %dma_wait3A_198 = arith.constant 0 : i32
      %dma_wait3A_199 = tpu.memref_slice %arg7[%run_scoped3A_22, %dma_wait3A_198] : memref<4x128xi32, #tpu.memory_space<vmem>> -> memref<1x128xi32, #tpu.memory_space<vmem>>
      %dma_wait3A_200 = tpu.memref_squeeze %dma_wait3A_199 : memref<1x128xi32, #tpu.memory_space<vmem>> -> memref<128xi32, #tpu.memory_space<vmem>>
      %dma_wait3A_201 = tpu.memref_slice %arg4[%add3A_21] : memref<16384xi32, #tpu.memory_space<hbm>> -> memref<128xi32, #tpu.memory_space<hbm>>
      %dma_wait3A_202 = arith.constant 0 : i32
      %dma_wait3A_203 = tpu.memref_slice %arg7[%run_scoped3A_22, %dma_wait3A_202] : memref<4x128xi32, #tpu.memory_space<vmem>> -> memref<1x128xi32, #tpu.memory_space<vmem>>
      %dma_wait3A_204 = tpu.memref_squeeze %dma_wait3A_203 : memref<1x128xi32, #tpu.memory_space<vmem>> -> memref<128xi32, #tpu.memory_space<vmem>>
      %dma_wait3A_205 = tpu.memref_slice %arg4[%add3A_21] : memref<16384xi32, #tpu.memory_space<hbm>> -> memref<128xi32, #tpu.memory_space<hbm>>
      tpu.wait_dma2 semaphore(%run_scoped3A_189 : memref<!tpu.dma_semaphore, #tpu.memory_space<semaphore_mem>>) src(%dma_wait3A_205 : memref<128xi32, #tpu.memory_space<hbm>>) dst(%dma_wait3A_204 : memref<128xi32, #tpu.memory_space<vmem>>)
      tpu.yield
    }) : () -> ()
    %add3A_23 = arith.constant 384 : i32
    %add3A_24 = arith.addi %mul3A_2, %add3A_23 : i32
    %run_scoped3A_25 = arith.constant 3 : i32
    "tpu.region"() ({
      %run_scoped3A_189 = tpu.sem_alloc : memref<!tpu.dma_semaphore, #tpu.memory_space<semaphore_mem>>
      %dma_start3A_190 = arith.constant 0 : i32
      %dma_start3A_191 = tpu.memref_slice %arg8[%run_scoped3A_25, %dma_start3A_190] : memref<4x128xi32, #tpu.memory_space<vmem>> -> memref<1x128xi32, #tpu.memory_space<vmem>>
      %dma_start3A_192 = tpu.memref_squeeze %dma_start3A_191 : memref<1x128xi32, #tpu.memory_space<vmem>> -> memref<128xi32, #tpu.memory_space<vmem>>
      %dma_start3A_193 = tpu.memref_slice %arg5[%add3A_24] : memref<16384xi32, #tpu.memory_space<hbm>> -> memref<128xi32, #tpu.memory_space<hbm>>
      %dma_start3A_194 = arith.constant 0 : i32
      %dma_start3A_195 = tpu.memref_slice %arg8[%run_scoped3A_25, %dma_start3A_194] : memref<4x128xi32, #tpu.memory_space<vmem>> -> memref<1x128xi32, #tpu.memory_space<vmem>>
      %dma_start3A_196 = tpu.memref_squeeze %dma_start3A_195 : memref<1x128xi32, #tpu.memory_space<vmem>> -> memref<128xi32, #tpu.memory_space<vmem>>
      %dma_start3A_197 = tpu.memref_slice %arg5[%add3A_24] : memref<16384xi32, #tpu.memory_space<hbm>> -> memref<128xi32, #tpu.memory_space<hbm>>
      tpu.enqueue_dma source(%dma_start3A_197 : memref<128xi32, #tpu.memory_space<hbm>>) target(%dma_start3A_196 : memref<128xi32, #tpu.memory_space<vmem>>) target_semaphore(%run_scoped3A_189 : memref<!tpu.dma_semaphore, #tpu.memory_space<semaphore_mem>>)
      %dma_wait3A_198 = arith.constant 0 : i32
      %dma_wait3A_199 = tpu.memref_slice %arg8[%run_scoped3A_25, %dma_wait3A_198] : memref<4x128xi32, #tpu.memory_space<vmem>> -> memref<1x128xi32, #tpu.memory_space<vmem>>
      %dma_wait3A_200 = tpu.memref_squeeze %dma_wait3A_199 : memref<1x128xi32, #tpu.memory_space<vmem>> -> memref<128xi32, #tpu.memory_space<vmem>>
      %dma_wait3A_201 = tpu.memref_slice %arg5[%add3A_24] : memref<16384xi32, #tpu.memory_space<hbm>> -> memref<128xi32, #tpu.memory_space<hbm>>
      %dma_wait3A_202 = arith.constant 0 : i32
      %dma_wait3A_203 = tpu.memref_slice %arg8[%run_scoped3A_25, %dma_wait3A_202] : memref<4x128xi32, #tpu.memory_space<vmem>> -> memref<1x128xi32, #tpu.memory_space<vmem>>
      %dma_wait3A_204 = tpu.memref_squeeze %dma_wait3A_203 : memref<1x128xi32, #tpu.memory_space<vmem>> -> memref<128xi32, #tpu.memory_space<vmem>>
      %dma_wait3A_205 = tpu.memref_slice %arg5[%add3A_24] : memref<16384xi32, #tpu.memory_space<hbm>> -> memref<128xi32, #tpu.memory_space<hbm>>
      tpu.wait_dma2 semaphore(%run_scoped3A_189 : memref<!tpu.dma_semaphore, #tpu.memory_space<semaphore_mem>>) src(%dma_wait3A_205 : memref<128xi32, #tpu.memory_space<hbm>>) dst(%dma_wait3A_204 : memref<128xi32, #tpu.memory_space<vmem>>)
      tpu.yield
    }) : () -> ()
    %dma_start3A = arith.constant 0 : i32
    %dma_start3A_26 = arith.constant 0 : i32
    %dma_start3A_27 = arith.constant 0 : i32
    %dma_start3A_28 = tpu.memref_slice %arg9[%dma_start3A_26, %dma_start3A_27] : memref<512x64xf32, #tpu.memory_space<vmem>> -> memref<128x64xf32, #tpu.memory_space<vmem>>
    %dma_start3A_29 = arith.constant 0 : i32
    %dma_start3A_30 = tpu.memref_slice %arg7[%dma_start3A, %dma_start3A_29] : memref<4x128xi32, #tpu.memory_space<vmem>> -> memref<1x128xi32, #tpu.memory_space<vmem>>
    %dma_start3A_31 = tpu.memref_squeeze %dma_start3A_30 : memref<1x128xi32, #tpu.memory_space<vmem>> -> memref<128xi32, #tpu.memory_space<vmem>>
    %dma_start3A_32 = arith.constant 0 : i32
    %dma_start3A_33 = arith.constant 0 : i32
    %dma_start3A_34 = tpu.memref_slice %arg2[%dma_start3A_32, %dma_start3A_33] : memref<100000x64xf32, #tpu.memory_space<hbm>> -> memref<100000x64xf32, #tpu.memory_space<hbm>>
    tpu.enqueue_indirect_dma source(%dma_start3A_34 : memref<100000x64xf32, #tpu.memory_space<hbm>>) target(%dma_start3A_28 : memref<128x64xf32, #tpu.memory_space<vmem>>) offsets(%dma_start3A_31 : memref<128xi32, #tpu.memory_space<vmem>>) semaphore(%arg13 : memref<!tpu.dma_semaphore, #tpu.memory_space<semaphore_mem>>)
    %dma_start3A_35 = arith.constant 0 : i32
    %dma_start3A_36 = arith.constant 0 : i32
    %dma_start3A_37 = arith.constant 0 : i32
    %dma_start3A_38 = tpu.memref_slice %arg10[%dma_start3A_36, %dma_start3A_37] : memref<512x64xf32, #tpu.memory_space<vmem>> -> memref<128x64xf32, #tpu.memory_space<vmem>>
    %dma_start3A_39 = arith.constant 0 : i32
    %dma_start3A_40 = tpu.memref_slice %arg8[%dma_start3A_35, %dma_start3A_39] : memref<4x128xi32, #tpu.memory_space<vmem>> -> memref<1x128xi32, #tpu.memory_space<vmem>>
    %dma_start3A_41 = tpu.memref_squeeze %dma_start3A_40 : memref<1x128xi32, #tpu.memory_space<vmem>> -> memref<128xi32, #tpu.memory_space<vmem>>
    %dma_start3A_42 = arith.constant 0 : i32
    %dma_start3A_43 = arith.constant 0 : i32
    %dma_start3A_44 = tpu.memref_slice %arg3[%dma_start3A_42, %dma_start3A_43] : memref<100000x64xf32, #tpu.memory_space<hbm>> -> memref<100000x64xf32, #tpu.memory_space<hbm>>
    tpu.enqueue_indirect_dma source(%dma_start3A_44 : memref<100000x64xf32, #tpu.memory_space<hbm>>) target(%dma_start3A_38 : memref<128x64xf32, #tpu.memory_space<vmem>>) offsets(%dma_start3A_41 : memref<128xi32, #tpu.memory_space<vmem>>) semaphore(%arg14 : memref<!tpu.dma_semaphore, #tpu.memory_space<semaphore_mem>>)
    %dma_start3A_45 = arith.constant 1 : i32
    %dma_start3A_46 = arith.constant 128 : i32
    %dma_start3A_47 = arith.constant 0 : i32
    %dma_start3A_48 = tpu.memref_slice %arg9[%dma_start3A_46, %dma_start3A_47] : memref<512x64xf32, #tpu.memory_space<vmem>> -> memref<128x64xf32, #tpu.memory_space<vmem>>
    %dma_start3A_49 = arith.constant 0 : i32
    %dma_start3A_50 = tpu.memref_slice %arg7[%dma_start3A_45, %dma_start3A_49] : memref<4x128xi32, #tpu.memory_space<vmem>> -> memref<1x128xi32, #tpu.memory_space<vmem>>
    %dma_start3A_51 = tpu.memref_squeeze %dma_start3A_50 : memref<1x128xi32, #tpu.memory_space<vmem>> -> memref<128xi32, #tpu.memory_space<vmem>>
    %dma_start3A_52 = arith.constant 0 : i32
    %dma_start3A_53 = arith.constant 0 : i32
    %dma_start3A_54 = tpu.memref_slice %arg2[%dma_start3A_52, %dma_start3A_53] : memref<100000x64xf32, #tpu.memory_space<hbm>> -> memref<100000x64xf32, #tpu.memory_space<hbm>>
    tpu.enqueue_indirect_dma source(%dma_start3A_54 : memref<100000x64xf32, #tpu.memory_space<hbm>>) target(%dma_start3A_48 : memref<128x64xf32, #tpu.memory_space<vmem>>) offsets(%dma_start3A_51 : memref<128xi32, #tpu.memory_space<vmem>>) semaphore(%arg13 : memref<!tpu.dma_semaphore, #tpu.memory_space<semaphore_mem>>)
    %dma_start3A_55 = arith.constant 1 : i32
    %dma_start3A_56 = arith.constant 128 : i32
    %dma_start3A_57 = arith.constant 0 : i32
    %dma_start3A_58 = tpu.memref_slice %arg10[%dma_start3A_56, %dma_start3A_57] : memref<512x64xf32, #tpu.memory_space<vmem>> -> memref<128x64xf32, #tpu.memory_space<vmem>>
    %dma_start3A_59 = arith.constant 0 : i32
    %dma_start3A_60 = tpu.memref_slice %arg8[%dma_start3A_55, %dma_start3A_59] : memref<4x128xi32, #tpu.memory_space<vmem>> -> memref<1x128xi32, #tpu.memory_space<vmem>>
    %dma_start3A_61 = tpu.memref_squeeze %dma_start3A_60 : memref<1x128xi32, #tpu.memory_space<vmem>> -> memref<128xi32, #tpu.memory_space<vmem>>
    %dma_start3A_62 = arith.constant 0 : i32
    %dma_start3A_63 = arith.constant 0 : i32
    %dma_start3A_64 = tpu.memref_slice %arg3[%dma_start3A_62, %dma_start3A_63] : memref<100000x64xf32, #tpu.memory_space<hbm>> -> memref<100000x64xf32, #tpu.memory_space<hbm>>
    tpu.enqueue_indirect_dma source(%dma_start3A_64 : memref<100000x64xf32, #tpu.memory_space<hbm>>) target(%dma_start3A_58 : memref<128x64xf32, #tpu.memory_space<vmem>>) offsets(%dma_start3A_61 : memref<128xi32, #tpu.memory_space<vmem>>) semaphore(%arg14 : memref<!tpu.dma_semaphore, #tpu.memory_space<semaphore_mem>>)
    %dma_start3A_65 = arith.constant 2 : i32
    %dma_start3A_66 = arith.constant 256 : i32
    %dma_start3A_67 = arith.constant 0 : i32
    %dma_start3A_68 = tpu.memref_slice %arg9[%dma_start3A_66, %dma_start3A_67] : memref<512x64xf32, #tpu.memory_space<vmem>> -> memref<128x64xf32, #tpu.memory_space<vmem>>
    %dma_start3A_69 = arith.constant 0 : i32
    %dma_start3A_70 = tpu.memref_slice %arg7[%dma_start3A_65, %dma_start3A_69] : memref<4x128xi32, #tpu.memory_space<vmem>> -> memref<1x128xi32, #tpu.memory_space<vmem>>
    %dma_start3A_71 = tpu.memref_squeeze %dma_start3A_70 : memref<1x128xi32, #tpu.memory_space<vmem>> -> memref<128xi32, #tpu.memory_space<vmem>>
    %dma_start3A_72 = arith.constant 0 : i32
    %dma_start3A_73 = arith.constant 0 : i32
    %dma_start3A_74 = tpu.memref_slice %arg2[%dma_start3A_72, %dma_start3A_73] : memref<100000x64xf32, #tpu.memory_space<hbm>> -> memref<100000x64xf32, #tpu.memory_space<hbm>>
    tpu.enqueue_indirect_dma source(%dma_start3A_74 : memref<100000x64xf32, #tpu.memory_space<hbm>>) target(%dma_start3A_68 : memref<128x64xf32, #tpu.memory_space<vmem>>) offsets(%dma_start3A_71 : memref<128xi32, #tpu.memory_space<vmem>>) semaphore(%arg13 : memref<!tpu.dma_semaphore, #tpu.memory_space<semaphore_mem>>)
    %dma_start3A_75 = arith.constant 2 : i32
    %dma_start3A_76 = arith.constant 256 : i32
    %dma_start3A_77 = arith.constant 0 : i32
    %dma_start3A_78 = tpu.memref_slice %arg10[%dma_start3A_76, %dma_start3A_77] : memref<512x64xf32, #tpu.memory_space<vmem>> -> memref<128x64xf32, #tpu.memory_space<vmem>>
    %dma_start3A_79 = arith.constant 0 : i32
    %dma_start3A_80 = tpu.memref_slice %arg8[%dma_start3A_75, %dma_start3A_79] : memref<4x128xi32, #tpu.memory_space<vmem>> -> memref<1x128xi32, #tpu.memory_space<vmem>>
    %dma_start3A_81 = tpu.memref_squeeze %dma_start3A_80 : memref<1x128xi32, #tpu.memory_space<vmem>> -> memref<128xi32, #tpu.memory_space<vmem>>
    %dma_start3A_82 = arith.constant 0 : i32
    %dma_start3A_83 = arith.constant 0 : i32
    %dma_start3A_84 = tpu.memref_slice %arg3[%dma_start3A_82, %dma_start3A_83] : memref<100000x64xf32, #tpu.memory_space<hbm>> -> memref<100000x64xf32, #tpu.memory_space<hbm>>
    tpu.enqueue_indirect_dma source(%dma_start3A_84 : memref<100000x64xf32, #tpu.memory_space<hbm>>) target(%dma_start3A_78 : memref<128x64xf32, #tpu.memory_space<vmem>>) offsets(%dma_start3A_81 : memref<128xi32, #tpu.memory_space<vmem>>) semaphore(%arg14 : memref<!tpu.dma_semaphore, #tpu.memory_space<semaphore_mem>>)
    %dma_start3A_85 = arith.constant 3 : i32
    %dma_start3A_86 = arith.constant 384 : i32
    %dma_start3A_87 = arith.constant 0 : i32
    %dma_start3A_88 = tpu.memref_slice %arg9[%dma_start3A_86, %dma_start3A_87] : memref<512x64xf32, #tpu.memory_space<vmem>> -> memref<128x64xf32, #tpu.memory_space<vmem>>
    %dma_start3A_89 = arith.constant 0 : i32
    %dma_start3A_90 = tpu.memref_slice %arg7[%dma_start3A_85, %dma_start3A_89] : memref<4x128xi32, #tpu.memory_space<vmem>> -> memref<1x128xi32, #tpu.memory_space<vmem>>
    %dma_start3A_91 = tpu.memref_squeeze %dma_start3A_90 : memref<1x128xi32, #tpu.memory_space<vmem>> -> memref<128xi32, #tpu.memory_space<vmem>>
    %dma_start3A_92 = arith.constant 0 : i32
    %dma_start3A_93 = arith.constant 0 : i32
    %dma_start3A_94 = tpu.memref_slice %arg2[%dma_start3A_92, %dma_start3A_93] : memref<100000x64xf32, #tpu.memory_space<hbm>> -> memref<100000x64xf32, #tpu.memory_space<hbm>>
    tpu.enqueue_indirect_dma source(%dma_start3A_94 : memref<100000x64xf32, #tpu.memory_space<hbm>>) target(%dma_start3A_88 : memref<128x64xf32, #tpu.memory_space<vmem>>) offsets(%dma_start3A_91 : memref<128xi32, #tpu.memory_space<vmem>>) semaphore(%arg13 : memref<!tpu.dma_semaphore, #tpu.memory_space<semaphore_mem>>)
    %dma_start3A_95 = arith.constant 3 : i32
    %dma_start3A_96 = arith.constant 384 : i32
    %dma_start3A_97 = arith.constant 0 : i32
    %dma_start3A_98 = tpu.memref_slice %arg10[%dma_start3A_96, %dma_start3A_97] : memref<512x64xf32, #tpu.memory_space<vmem>> -> memref<128x64xf32, #tpu.memory_space<vmem>>
    %dma_start3A_99 = arith.constant 0 : i32
    %dma_start3A_100 = tpu.memref_slice %arg8[%dma_start3A_95, %dma_start3A_99] : memref<4x128xi32, #tpu.memory_space<vmem>> -> memref<1x128xi32, #tpu.memory_space<vmem>>
    %dma_start3A_101 = tpu.memref_squeeze %dma_start3A_100 : memref<1x128xi32, #tpu.memory_space<vmem>> -> memref<128xi32, #tpu.memory_space<vmem>>
    %dma_start3A_102 = arith.constant 0 : i32
    %dma_start3A_103 = arith.constant 0 : i32
    %dma_start3A_104 = tpu.memref_slice %arg3[%dma_start3A_102, %dma_start3A_103] : memref<100000x64xf32, #tpu.memory_space<hbm>> -> memref<100000x64xf32, #tpu.memory_space<hbm>>
    tpu.enqueue_indirect_dma source(%dma_start3A_104 : memref<100000x64xf32, #tpu.memory_space<hbm>>) target(%dma_start3A_98 : memref<128x64xf32, #tpu.memory_space<vmem>>) offsets(%dma_start3A_101 : memref<128xi32, #tpu.memory_space<vmem>>) semaphore(%arg14 : memref<!tpu.dma_semaphore, #tpu.memory_space<semaphore_mem>>)
    %dma_wait3A = arith.constant 0 : i32
    %dma_wait3A_105 = arith.constant 0 : i32
    %dma_wait3A_106 = arith.constant 0 : i32
    %dma_wait3A_107 = tpu.memref_slice %arg9[%dma_wait3A_105, %dma_wait3A_106] : memref<512x64xf32, #tpu.memory_space<vmem>> -> memref<128x64xf32, #tpu.memory_space<vmem>>
    %dma_wait3A_108 = arith.constant 0 : i32
    %dma_wait3A_109 = tpu.memref_slice %arg7[%dma_wait3A, %dma_wait3A_108] : memref<4x128xi32, #tpu.memory_space<vmem>> -> memref<1x128xi32, #tpu.memory_space<vmem>>
    %dma_wait3A_110 = tpu.memref_squeeze %dma_wait3A_109 : memref<1x128xi32, #tpu.memory_space<vmem>> -> memref<128xi32, #tpu.memory_space<vmem>>
    %dma_wait3A_111 = arith.constant 0 : i32
    %dma_wait3A_112 = arith.constant 0 : i32
    %dma_wait3A_113 = tpu.memref_slice %arg2[%dma_wait3A_111, %dma_wait3A_112] : memref<100000x64xf32, #tpu.memory_space<hbm>> -> memref<100000x64xf32, #tpu.memory_space<hbm>>
    tpu.wait_indirect_dma semaphore(%arg13 : memref<!tpu.dma_semaphore, #tpu.memory_space<semaphore_mem>>) src(%dma_wait3A_113 : memref<100000x64xf32, #tpu.memory_space<hbm>>) dst(%dma_wait3A_107 : memref<128x64xf32, #tpu.memory_space<vmem>>)
    %dma_wait3A_114 = arith.constant 0 : i32
    %dma_wait3A_115 = arith.constant 0 : i32
    %dma_wait3A_116 = arith.constant 0 : i32
    %dma_wait3A_117 = tpu.memref_slice %arg10[%dma_wait3A_115, %dma_wait3A_116] : memref<512x64xf32, #tpu.memory_space<vmem>> -> memref<128x64xf32, #tpu.memory_space<vmem>>
    %dma_wait3A_118 = arith.constant 0 : i32
    %dma_wait3A_119 = tpu.memref_slice %arg8[%dma_wait3A_114, %dma_wait3A_118] : memref<4x128xi32, #tpu.memory_space<vmem>> -> memref<1x128xi32, #tpu.memory_space<vmem>>
    %dma_wait3A_120 = tpu.memref_squeeze %dma_wait3A_119 : memref<1x128xi32, #tpu.memory_space<vmem>> -> memref<128xi32, #tpu.memory_space<vmem>>
    %dma_wait3A_121 = arith.constant 0 : i32
    %dma_wait3A_122 = arith.constant 0 : i32
    %dma_wait3A_123 = tpu.memref_slice %arg3[%dma_wait3A_121, %dma_wait3A_122] : memref<100000x64xf32, #tpu.memory_space<hbm>> -> memref<100000x64xf32, #tpu.memory_space<hbm>>
    tpu.wait_indirect_dma semaphore(%arg14 : memref<!tpu.dma_semaphore, #tpu.memory_space<semaphore_mem>>) src(%dma_wait3A_123 : memref<100000x64xf32, #tpu.memory_space<hbm>>) dst(%dma_wait3A_117 : memref<128x64xf32, #tpu.memory_space<vmem>>)
    %dma_wait3A_124 = arith.constant 1 : i32
    %dma_wait3A_125 = arith.constant 128 : i32
    %dma_wait3A_126 = arith.constant 0 : i32
    %dma_wait3A_127 = tpu.memref_slice %arg9[%dma_wait3A_125, %dma_wait3A_126] : memref<512x64xf32, #tpu.memory_space<vmem>> -> memref<128x64xf32, #tpu.memory_space<vmem>>
    %dma_wait3A_128 = arith.constant 0 : i32
    %dma_wait3A_129 = tpu.memref_slice %arg7[%dma_wait3A_124, %dma_wait3A_128] : memref<4x128xi32, #tpu.memory_space<vmem>> -> memref<1x128xi32, #tpu.memory_space<vmem>>
    %dma_wait3A_130 = tpu.memref_squeeze %dma_wait3A_129 : memref<1x128xi32, #tpu.memory_space<vmem>> -> memref<128xi32, #tpu.memory_space<vmem>>
    %dma_wait3A_131 = arith.constant 0 : i32
    %dma_wait3A_132 = arith.constant 0 : i32
    %dma_wait3A_133 = tpu.memref_slice %arg2[%dma_wait3A_131, %dma_wait3A_132] : memref<100000x64xf32, #tpu.memory_space<hbm>> -> memref<100000x64xf32, #tpu.memory_space<hbm>>
    tpu.wait_indirect_dma semaphore(%arg13 : memref<!tpu.dma_semaphore, #tpu.memory_space<semaphore_mem>>) src(%dma_wait3A_133 : memref<100000x64xf32, #tpu.memory_space<hbm>>) dst(%dma_wait3A_127 : memref<128x64xf32, #tpu.memory_space<vmem>>)
    %dma_wait3A_134 = arith.constant 1 : i32
    %dma_wait3A_135 = arith.constant 128 : i32
    %dma_wait3A_136 = arith.constant 0 : i32
    %dma_wait3A_137 = tpu.memref_slice %arg10[%dma_wait3A_135, %dma_wait3A_136] : memref<512x64xf32, #tpu.memory_space<vmem>> -> memref<128x64xf32, #tpu.memory_space<vmem>>
    %dma_wait3A_138 = arith.constant 0 : i32
    %dma_wait3A_139 = tpu.memref_slice %arg8[%dma_wait3A_134, %dma_wait3A_138] : memref<4x128xi32, #tpu.memory_space<vmem>> -> memref<1x128xi32, #tpu.memory_space<vmem>>
    %dma_wait3A_140 = tpu.memref_squeeze %dma_wait3A_139 : memref<1x128xi32, #tpu.memory_space<vmem>> -> memref<128xi32, #tpu.memory_space<vmem>>
    %dma_wait3A_141 = arith.constant 0 : i32
    %dma_wait3A_142 = arith.constant 0 : i32
    %dma_wait3A_143 = tpu.memref_slice %arg3[%dma_wait3A_141, %dma_wait3A_142] : memref<100000x64xf32, #tpu.memory_space<hbm>> -> memref<100000x64xf32, #tpu.memory_space<hbm>>
    tpu.wait_indirect_dma semaphore(%arg14 : memref<!tpu.dma_semaphore, #tpu.memory_space<semaphore_mem>>) src(%dma_wait3A_143 : memref<100000x64xf32, #tpu.memory_space<hbm>>) dst(%dma_wait3A_137 : memref<128x64xf32, #tpu.memory_space<vmem>>)
    %dma_wait3A_144 = arith.constant 2 : i32
    %dma_wait3A_145 = arith.constant 256 : i32
    %dma_wait3A_146 = arith.constant 0 : i32
    %dma_wait3A_147 = tpu.memref_slice %arg9[%dma_wait3A_145, %dma_wait3A_146] : memref<512x64xf32, #tpu.memory_space<vmem>> -> memref<128x64xf32, #tpu.memory_space<vmem>>
    %dma_wait3A_148 = arith.constant 0 : i32
    %dma_wait3A_149 = tpu.memref_slice %arg7[%dma_wait3A_144, %dma_wait3A_148] : memref<4x128xi32, #tpu.memory_space<vmem>> -> memref<1x128xi32, #tpu.memory_space<vmem>>
    %dma_wait3A_150 = tpu.memref_squeeze %dma_wait3A_149 : memref<1x128xi32, #tpu.memory_space<vmem>> -> memref<128xi32, #tpu.memory_space<vmem>>
    %dma_wait3A_151 = arith.constant 0 : i32
    %dma_wait3A_152 = arith.constant 0 : i32
    %dma_wait3A_153 = tpu.memref_slice %arg2[%dma_wait3A_151, %dma_wait3A_152] : memref<100000x64xf32, #tpu.memory_space<hbm>> -> memref<100000x64xf32, #tpu.memory_space<hbm>>
    tpu.wait_indirect_dma semaphore(%arg13 : memref<!tpu.dma_semaphore, #tpu.memory_space<semaphore_mem>>) src(%dma_wait3A_153 : memref<100000x64xf32, #tpu.memory_space<hbm>>) dst(%dma_wait3A_147 : memref<128x64xf32, #tpu.memory_space<vmem>>)
    %dma_wait3A_154 = arith.constant 2 : i32
    %dma_wait3A_155 = arith.constant 256 : i32
    %dma_wait3A_156 = arith.constant 0 : i32
    %dma_wait3A_157 = tpu.memref_slice %arg10[%dma_wait3A_155, %dma_wait3A_156] : memref<512x64xf32, #tpu.memory_space<vmem>> -> memref<128x64xf32, #tpu.memory_space<vmem>>
    %dma_wait3A_158 = arith.constant 0 : i32
    %dma_wait3A_159 = tpu.memref_slice %arg8[%dma_wait3A_154, %dma_wait3A_158] : memref<4x128xi32, #tpu.memory_space<vmem>> -> memref<1x128xi32, #tpu.memory_space<vmem>>
    %dma_wait3A_160 = tpu.memref_squeeze %dma_wait3A_159 : memref<1x128xi32, #tpu.memory_space<vmem>> -> memref<128xi32, #tpu.memory_space<vmem>>
    %dma_wait3A_161 = arith.constant 0 : i32
    %dma_wait3A_162 = arith.constant 0 : i32
    %dma_wait3A_163 = tpu.memref_slice %arg3[%dma_wait3A_161, %dma_wait3A_162] : memref<100000x64xf32, #tpu.memory_space<hbm>> -> memref<100000x64xf32, #tpu.memory_space<hbm>>
    tpu.wait_indirect_dma semaphore(%arg14 : memref<!tpu.dma_semaphore, #tpu.memory_space<semaphore_mem>>) src(%dma_wait3A_163 : memref<100000x64xf32, #tpu.memory_space<hbm>>) dst(%dma_wait3A_157 : memref<128x64xf32, #tpu.memory_space<vmem>>)
    %dma_wait3A_164 = arith.constant 3 : i32
    %dma_wait3A_165 = arith.constant 384 : i32
    %dma_wait3A_166 = arith.constant 0 : i32
    %dma_wait3A_167 = tpu.memref_slice %arg9[%dma_wait3A_165, %dma_wait3A_166] : memref<512x64xf32, #tpu.memory_space<vmem>> -> memref<128x64xf32, #tpu.memory_space<vmem>>
    %dma_wait3A_168 = arith.constant 0 : i32
    %dma_wait3A_169 = tpu.memref_slice %arg7[%dma_wait3A_164, %dma_wait3A_168] : memref<4x128xi32, #tpu.memory_space<vmem>> -> memref<1x128xi32, #tpu.memory_space<vmem>>
    %dma_wait3A_170 = tpu.memref_squeeze %dma_wait3A_169 : memref<1x128xi32, #tpu.memory_space<vmem>> -> memref<128xi32, #tpu.memory_space<vmem>>
    %dma_wait3A_171 = arith.constant 0 : i32
    %dma_wait3A_172 = arith.constant 0 : i32
    %dma_wait3A_173 = tpu.memref_slice %arg2[%dma_wait3A_171, %dma_wait3A_172] : memref<100000x64xf32, #tpu.memory_space<hbm>> -> memref<100000x64xf32, #tpu.memory_space<hbm>>
    tpu.wait_indirect_dma semaphore(%arg13 : memref<!tpu.dma_semaphore, #tpu.memory_space<semaphore_mem>>) src(%dma_wait3A_173 : memref<100000x64xf32, #tpu.memory_space<hbm>>) dst(%dma_wait3A_167 : memref<128x64xf32, #tpu.memory_space<vmem>>)
    %dma_wait3A_174 = arith.constant 3 : i32
    %dma_wait3A_175 = arith.constant 384 : i32
    %dma_wait3A_176 = arith.constant 0 : i32
    %dma_wait3A_177 = tpu.memref_slice %arg10[%dma_wait3A_175, %dma_wait3A_176] : memref<512x64xf32, #tpu.memory_space<vmem>> -> memref<128x64xf32, #tpu.memory_space<vmem>>
    %dma_wait3A_178 = arith.constant 0 : i32
    %dma_wait3A_179 = tpu.memref_slice %arg8[%dma_wait3A_174, %dma_wait3A_178] : memref<4x128xi32, #tpu.memory_space<vmem>> -> memref<1x128xi32, #tpu.memory_space<vmem>>
    %dma_wait3A_180 = tpu.memref_squeeze %dma_wait3A_179 : memref<1x128xi32, #tpu.memory_space<vmem>> -> memref<128xi32, #tpu.memory_space<vmem>>
    %dma_wait3A_181 = arith.constant 0 : i32
    %dma_wait3A_182 = arith.constant 0 : i32
    %dma_wait3A_183 = tpu.memref_slice %arg3[%dma_wait3A_181, %dma_wait3A_182] : memref<100000x64xf32, #tpu.memory_space<hbm>> -> memref<100000x64xf32, #tpu.memory_space<hbm>>
    tpu.wait_indirect_dma semaphore(%arg14 : memref<!tpu.dma_semaphore, #tpu.memory_space<semaphore_mem>>) src(%dma_wait3A_183 : memref<100000x64xf32, #tpu.memory_space<hbm>>) dst(%dma_wait3A_177 : memref<128x64xf32, #tpu.memory_space<vmem>>)
    %iota3A = tpu.iota {dimensions = array<i32: 0>} : vector<16xi32>
    %scan3A = arith.constant 0 : i32
    %scan3A_184 = arith.constant 0 : i32
    %scan3A_185 = arith.constant 32 : i32
    %scan3A_186 = arith.addi %scan3A_184, %scan3A_185 : i32
    %scan3A_187 = arith.constant 1 : i32
    scf.for %scan3A_189 = %scan3A_184 to %scan3A_186 step %scan3A_187  : i32 {
      %mul3A_190 = arith.constant 16 : i32
      %mul3A_191 = arith.muli %scan3A_189, %mul3A_190 : i32
      %add3A_192 = arith.constant 0 : i32
      %add3A_193 = arith.addi %mul3A_191, %add3A_192 : i32
      %get3A = arith.index_cast %add3A_193 : i32 to index
      %get3A_194 = arith.constant 0 : index
      %get3A_195 = tpu.vector_load %arg9[%get3A, %get3A_194] {strides = array<i32>} : memref<512x64xf32, #tpu.memory_space<vmem>>, vector<16xf32>,
      %get3A_196 = arith.index_cast %add3A_193 : i32 to index
      %get3A_197 = arith.constant 0 : index
      %get3A_198 = tpu.vector_load %arg10[%get3A_196, %get3A_197] {strides = array<i32>} : memref<512x64xf32, #tpu.memory_space<vmem>>, vector<16xf32>,
      %mul3A_199 = arith.mulf %get3A_195, %get3A_198 : vector<16xf32>
      %get3A_200 = arith.index_cast %add3A_193 : i32 to index
      %get3A_201 = arith.constant 16 : index
      %get3A_202 = tpu.vector_load %arg9[%get3A_200, %get3A_201] {strides = array<i32>} : memref<512x64xf32, #tpu.memory_space<vmem>>, vector<16xf32>,
      %get3A_203 = arith.index_cast %add3A_193 : i32 to index
      %get3A_204 = arith.constant 16 : index
      %get3A_205 = tpu.vector_load %arg10[%get3A_203, %get3A_204] {strides = array<i32>} : memref<512x64xf32, #tpu.memory_space<vmem>>, vector<16xf32>,
      %mul3A_206 = arith.mulf %get3A_202, %get3A_205 : vector<16xf32>
      %add3A_207 = arith.addf %mul3A_199, %mul3A_206 : vector<16xf32>
      %get3A_208 = arith.index_cast %add3A_193 : i32 to index
      %get3A_209 = arith.constant 32 : index
      %get3A_210 = tpu.vector_load %arg9[%get3A_208, %get3A_209] {strides = array<i32>} : memref<512x64xf32, #tpu.memory_space<vmem>>, vector<16xf32>,
      %get3A_211 = arith.index_cast %add3A_193 : i32 to index
      %get3A_212 = arith.constant 32 : index
      %get3A_213 = tpu.vector_load %arg10[%get3A_211, %get3A_212] {strides = array<i32>} : memref<512x64xf32, #tpu.memory_space<vmem>>, vector<16xf32>,
      %mul3A_214 = arith.mulf %get3A_210, %get3A_213 : vector<16xf32>
      %add3A_215 = arith.addf %add3A_207, %mul3A_214 : vector<16xf32>
      %get3A_216 = arith.index_cast %add3A_193 : i32 to index
      %get3A_217 = arith.constant 48 : index
      %get3A_218 = tpu.vector_load %arg9[%get3A_216, %get3A_217] {strides = array<i32>} : memref<512x64xf32, #tpu.memory_space<vmem>>, vector<16xf32>,
      %get3A_219 = arith.index_cast %add3A_193 : i32 to index
      %get3A_220 = arith.constant 48 : index
      %get3A_221 = tpu.vector_load %arg10[%get3A_219, %get3A_220] {strides = array<i32>} : memref<512x64xf32, #tpu.memory_space<vmem>>, vector<16xf32>,
      %mul3A_222 = arith.mulf %get3A_218, %get3A_221 : vector<16xf32>
      %add3A_223 = arith.addf %add3A_215, %mul3A_222 : vector<16xf32>
      %swap3A = arith.constant 0 : i32
      %swap3A_224 = arith.index_cast %swap3A : i32 to index
      %swap3A_225 = arith.constant 0 : index
      %swap3A_226 = tpu.vector_load %arg11[%swap3A_224, %swap3A_225] {strides = array<i32>} : memref<16x16xf32, #tpu.memory_space<vmem>>, vector<16xf32>,
      tpu.vector_store %arg11[%swap3A_224, %swap3A_225], %add3A_223 {strides = array<i32>} : memref<16x16xf32, #tpu.memory_space<vmem>>, vector<16xf32>,
      %add3A_227 = arith.constant 1 : i32
      %add3A_228 = arith.addi %mul3A_191, %add3A_227 : i32
      %get3A_229 = arith.index_cast %add3A_228 : i32 to index
      %get3A_230 = arith.constant 0 : index
      %get3A_231 = tpu.vector_load %arg9[%get3A_229, %get3A_230] {strides = array<i32>} : memref<512x64xf32, #tpu.memory_space<vmem>>, vector<16xf32>,
      %get3A_232 = arith.index_cast %add3A_228 : i32 to index
      %get3A_233 = arith.constant 0 : index
      %get3A_234 = tpu.vector_load %arg10[%get3A_232, %get3A_233] {strides = array<i32>} : memref<512x64xf32, #tpu.memory_space<vmem>>, vector<16xf32>,
      %mul3A_235 = arith.mulf %get3A_231, %get3A_234 : vector<16xf32>
      %get3A_236 = arith.index_cast %add3A_228 : i32 to index
      %get3A_237 = arith.constant 16 : index
      %get3A_238 = tpu.vector_load %arg9[%get3A_236, %get3A_237] {strides = array<i32>} : memref<512x64xf32, #tpu.memory_space<vmem>>, vector<16xf32>,
      %get3A_239 = arith.index_cast %add3A_228 : i32 to index
      %get3A_240 = arith.constant 16 : index
      %get3A_241 = tpu.vector_load %arg10[%get3A_239, %get3A_240] {strides = array<i32>} : memref<512x64xf32, #tpu.memory_space<vmem>>, vector<16xf32>,
      %mul3A_242 = arith.mulf %get3A_238, %get3A_241 : vector<16xf32>
      %add3A_243 = arith.addf %mul3A_235, %mul3A_242 : vector<16xf32>
      %get3A_244 = arith.index_cast %add3A_228 : i32 to index
      %get3A_245 = arith.constant 32 : index
      %get3A_246 = tpu.vector_load %arg9[%get3A_244, %get3A_245] {strides = array<i32>} : memref<512x64xf32, #tpu.memory_space<vmem>>, vector<16xf32>,
      %get3A_247 = arith.index_cast %add3A_228 : i32 to index
      %get3A_248 = arith.constant 32 : index
      %get3A_249 = tpu.vector_load %arg10[%get3A_247, %get3A_248] {strides = array<i32>} : memref<512x64xf32, #tpu.memory_space<vmem>>, vector<16xf32>,
      %mul3A_250 = arith.mulf %get3A_246, %get3A_249 : vector<16xf32>
      %add3A_251 = arith.addf %add3A_243, %mul3A_250 : vector<16xf32>
      %get3A_252 = arith.index_cast %add3A_228 : i32 to index
      %get3A_253 = arith.constant 48 : index
      %get3A_254 = tpu.vector_load %arg9[%get3A_252, %get3A_253] {strides = array<i32>} : memref<512x64xf32, #tpu.memory_space<vmem>>, vector<16xf32>,
      %get3A_255 = arith.index_cast %add3A_228 : i32 to index
      %get3A_256 = arith.constant 48 : index
      %get3A_257 = tpu.vector_load %arg10[%get3A_255, %get3A_256] {strides = array<i32>} : memref<512x64xf32, #tpu.memory_space<vmem>>, vector<16xf32>,
      %mul3A_258 = arith.mulf %get3A_254, %get3A_257 : vector<16xf32>
      %add3A_259 = arith.addf %add3A_251, %mul3A_258 : vector<16xf32>
      %swap3A_260 = arith.constant 1 : i32
      %swap3A_261 = arith.index_cast %swap3A_260 : i32 to index
      %swap3A_262 = arith.constant 0 : index
      %swap3A_263 = tpu.vector_load %arg11[%swap3A_261, %swap3A_262] {strides = array<i32>} : memref<16x16xf32, #tpu.memory_space<vmem>>, vector<16xf32>,
      tpu.vector_store %arg11[%swap3A_261, %swap3A_262], %add3A_259 {strides = array<i32>} : memref<16x16xf32, #tpu.memory_space<vmem>>, vector<16xf32>,
      %add3A_264 = arith.constant 2 : i32
      %add3A_265 = arith.addi %mul3A_191, %add3A_264 : i32
      %get3A_266 = arith.index_cast %add3A_265 : i32 to index
      %get3A_267 = arith.constant 0 : index
      %get3A_268 = tpu.vector_load %arg9[%get3A_266, %get3A_267] {strides = array<i32>} : memref<512x64xf32, #tpu.memory_space<vmem>>, vector<16xf32>,
      %get3A_269 = arith.index_cast %add3A_265 : i32 to index
      %get3A_270 = arith.constant 0 : index
      %get3A_271 = tpu.vector_load %arg10[%get3A_269, %get3A_270] {strides = array<i32>} : memref<512x64xf32, #tpu.memory_space<vmem>>, vector<16xf32>,
      %mul3A_272 = arith.mulf %get3A_268, %get3A_271 : vector<16xf32>
      %get3A_273 = arith.index_cast %add3A_265 : i32 to index
      %get3A_274 = arith.constant 16 : index
      %get3A_275 = tpu.vector_load %arg9[%get3A_273, %get3A_274] {strides = array<i32>} : memref<512x64xf32, #tpu.memory_space<vmem>>, vector<16xf32>,
      %get3A_276 = arith.index_cast %add3A_265 : i32 to index
      %get3A_277 = arith.constant 16 : index
      %get3A_278 = tpu.vector_load %arg10[%get3A_276, %get3A_277] {strides = array<i32>} : memref<512x64xf32, #tpu.memory_space<vmem>>, vector<16xf32>,
      %mul3A_279 = arith.mulf %get3A_275, %get3A_278 : vector<16xf32>
      %add3A_280 = arith.addf %mul3A_272, %mul3A_279 : vector<16xf32>
      %get3A_281 = arith.index_cast %add3A_265 : i32 to index
      %get3A_282 = arith.constant 32 : index
      %get3A_283 = tpu.vector_load %arg9[%get3A_281, %get3A_282] {strides = array<i32>} : memref<512x64xf32, #tpu.memory_space<vmem>>, vector<16xf32>,
      %get3A_284 = arith.index_cast %add3A_265 : i32 to index
      %get3A_285 = arith.constant 32 : index
      %get3A_286 = tpu.vector_load %arg10[%get3A_284, %get3A_285] {strides = array<i32>} : memref<512x64xf32, #tpu.memory_space<vmem>>, vector<16xf32>,
      %mul3A_287 = arith.mulf %get3A_283, %get3A_286 : vector<16xf32>
      %add3A_288 = arith.addf %add3A_280, %mul3A_287 : vector<16xf32>
      %get3A_289 = arith.index_cast %add3A_265 : i32 to index
      %get3A_290 = arith.constant 48 : index
      %get3A_291 = tpu.vector_load %arg9[%get3A_289, %get3A_290] {strides = array<i32>} : memref<512x64xf32, #tpu.memory_space<vmem>>, vector<16xf32>,
      %get3A_292 = arith.index_cast %add3A_265 : i32 to index
      %get3A_293 = arith.constant 48 : index
      %get3A_294 = tpu.vector_load %arg10[%get3A_292, %get3A_293] {strides = array<i32>} : memref<512x64xf32, #tpu.memory_space<vmem>>, vector<16xf32>,
      %mul3A_295 = arith.mulf %get3A_291, %get3A_294 : vector<16xf32>
      %add3A_296 = arith.addf %add3A_288, %mul3A_295 : vector<16xf32>
      %swap3A_297 = arith.constant 2 : i32
      %swap3A_298 = arith.index_cast %swap3A_297 : i32 to index
      %swap3A_299 = arith.constant 0 : index
      %swap3A_300 = tpu.vector_load %arg11[%swap3A_298, %swap3A_299] {strides = array<i32>} : memref<16x16xf32, #tpu.memory_space<vmem>>, vector<16xf32>,
      tpu.vector_store %arg11[%swap3A_298, %swap3A_299], %add3A_296 {strides = array<i32>} : memref<16x16xf32, #tpu.memory_space<vmem>>, vector<16xf32>,
      %add3A_301 = arith.constant 3 : i32
      %add3A_302 = arith.addi %mul3A_191, %add3A_301 : i32
      %get3A_303 = arith.index_cast %add3A_302 : i32 to index
      %get3A_304 = arith.constant 0 : index
      %get3A_305 = tpu.vector_load %arg9[%get3A_303, %get3A_304] {strides = array<i32>} : memref<512x64xf32, #tpu.memory_space<vmem>>, vector<16xf32>,
      %get3A_306 = arith.index_cast %add3A_302 : i32 to index
      %get3A_307 = arith.constant 0 : index
      %get3A_308 = tpu.vector_load %arg10[%get3A_306, %get3A_307] {strides = array<i32>} : memref<512x64xf32, #tpu.memory_space<vmem>>, vector<16xf32>,
      %mul3A_309 = arith.mulf %get3A_305, %get3A_308 : vector<16xf32>
      %get3A_310 = arith.index_cast %add3A_302 : i32 to index
      %get3A_311 = arith.constant 16 : index
      %get3A_312 = tpu.vector_load %arg9[%get3A_310, %get3A_311] {strides = array<i32>} : memref<512x64xf32, #tpu.memory_space<vmem>>, vector<16xf32>,
      %get3A_313 = arith.index_cast %add3A_302 : i32 to index
      %get3A_314 = arith.constant 16 : index
      %get3A_315 = tpu.vector_load %arg10[%get3A_313, %get3A_314] {strides = array<i32>} : memref<512x64xf32, #tpu.memory_space<vmem>>, vector<16xf32>,
      %mul3A_316 = arith.mulf %get3A_312, %get3A_315 : vector<16xf32>
      %add3A_317 = arith.addf %mul3A_309, %mul3A_316 : vector<16xf32>
      %get3A_318 = arith.index_cast %add3A_302 : i32 to index
      %get3A_319 = arith.constant 32 : index
      %get3A_320 = tpu.vector_load %arg9[%get3A_318, %get3A_319] {strides = array<i32>} : memref<512x64xf32, #tpu.memory_space<vmem>>, vector<16xf32>,
      %get3A_321 = arith.index_cast %add3A_302 : i32 to index
      %get3A_322 = arith.constant 32 : index
      %get3A_323 = tpu.vector_load %arg10[%get3A_321, %get3A_322] {strides = array<i32>} : memref<512x64xf32, #tpu.memory_space<vmem>>, vector<16xf32>,
      %mul3A_324 = arith.mulf %get3A_320, %get3A_323 : vector<16xf32>
      %add3A_325 = arith.addf %add3A_317, %mul3A_324 : vector<16xf32>
      %get3A_326 = arith.index_cast %add3A_302 : i32 to index
      %get3A_327 = arith.constant 48 : index
      %get3A_328 = tpu.vector_load %arg9[%get3A_326, %get3A_327] {strides = array<i32>} : memref<512x64xf32, #tpu.memory_space<vmem>>, vector<16xf32>,
      %get3A_329 = arith.index_cast %add3A_302 : i32 to index
      %get3A_330 = arith.constant 48 : index
      %get3A_331 = tpu.vector_load %arg10[%get3A_329, %get3A_330] {strides = array<i32>} : memref<512x64xf32, #tpu.memory_space<vmem>>, vector<16xf32>,
      %mul3A_332 = arith.mulf %get3A_328, %get3A_331 : vector<16xf32>
      %add3A_333 = arith.addf %add3A_325, %mul3A_332 : vector<16xf32>
      %swap3A_334 = arith.constant 3 : i32
      %swap3A_335 = arith.index_cast %swap3A_334 : i32 to index
      %swap3A_336 = arith.constant 0 : index
      %swap3A_337 = tpu.vector_load %arg11[%swap3A_335, %swap3A_336] {strides = array<i32>} : memref<16x16xf32, #tpu.memory_space<vmem>>, vector<16xf32>,
      tpu.vector_store %arg11[%swap3A_335, %swap3A_336], %add3A_333 {strides = array<i32>} : memref<16x16xf32, #tpu.memory_space<vmem>>, vector<16xf32>,
      %add3A_338 = arith.constant 4 : i32
      %add3A_339 = arith.addi %mul3A_191, %add3A_338 : i32
      %get3A_340 = arith.index_cast %add3A_339 : i32 to index
      %get3A_341 = arith.constant 0 : index
      %get3A_342 = tpu.vector_load %arg9[%get3A_340, %get3A_341] {strides = array<i32>} : memref<512x64xf32, #tpu.memory_space<vmem>>, vector<16xf32>,
      %get3A_343 = arith.index_cast %add3A_339 : i32 to index
      %get3A_344 = arith.constant 0 : index
      %get3A_345 = tpu.vector_load %arg10[%get3A_343, %get3A_344] {strides = array<i32>} : memref<512x64xf32, #tpu.memory_space<vmem>>, vector<16xf32>,
      %mul3A_346 = arith.mulf %get3A_342, %get3A_345 : vector<16xf32>
      %get3A_347 = arith.index_cast %add3A_339 : i32 to index
      %get3A_348 = arith.constant 16 : index
      %get3A_349 = tpu.vector_load %arg9[%get3A_347, %get3A_348] {strides = array<i32>} : memref<512x64xf32, #tpu.memory_space<vmem>>, vector<16xf32>,
      %get3A_350 = arith.index_cast %add3A_339 : i32 to index
      %get3A_351 = arith.constant 16 : index
      %get3A_352 = tpu.vector_load %arg10[%get3A_350, %get3A_351] {strides = array<i32>} : memref<512x64xf32, #tpu.memory_space<vmem>>, vector<16xf32>,
      %mul3A_353 = arith.mulf %get3A_349, %get3A_352 : vector<16xf32>
      %add3A_354 = arith.addf %mul3A_346, %mul3A_353 : vector<16xf32>
      %get3A_355 = arith.index_cast %add3A_339 : i32 to index
      %get3A_356 = arith.constant 32 : index
      %get3A_357 = tpu.vector_load %arg9[%get3A_355, %get3A_356] {strides = array<i32>} : memref<512x64xf32, #tpu.memory_space<vmem>>, vector<16xf32>,
      %get3A_358 = arith.index_cast %add3A_339 : i32 to index
      %get3A_359 = arith.constant 32 : index
      %get3A_360 = tpu.vector_load %arg10[%get3A_358, %get3A_359] {strides = array<i32>} : memref<512x64xf32, #tpu.memory_space<vmem>>, vector<16xf32>,
      %mul3A_361 = arith.mulf %get3A_357, %get3A_360 : vector<16xf32>
      %add3A_362 = arith.addf %add3A_354, %mul3A_361 : vector<16xf32>
      %get3A_363 = arith.index_cast %add3A_339 : i32 to index
      %get3A_364 = arith.constant 48 : index
      %get3A_365 = tpu.vector_load %arg9[%get3A_363, %get3A_364] {strides = array<i32>} : memref<512x64xf32, #tpu.memory_space<vmem>>, vector<16xf32>,
      %get3A_366 = arith.index_cast %add3A_339 : i32 to index
      %get3A_367 = arith.constant 48 : index
      %get3A_368 = tpu.vector_load %arg10[%get3A_366, %get3A_367] {strides = array<i32>} : memref<512x64xf32, #tpu.memory_space<vmem>>, vector<16xf32>,
      %mul3A_369 = arith.mulf %get3A_365, %get3A_368 : vector<16xf32>
      %add3A_370 = arith.addf %add3A_362, %mul3A_369 : vector<16xf32>
      %swap3A_371 = arith.constant 4 : i32
      %swap3A_372 = arith.index_cast %swap3A_371 : i32 to index
      %swap3A_373 = arith.constant 0 : index
      %swap3A_374 = tpu.vector_load %arg11[%swap3A_372, %swap3A_373] {strides = array<i32>} : memref<16x16xf32, #tpu.memory_space<vmem>>, vector<16xf32>,
      tpu.vector_store %arg11[%swap3A_372, %swap3A_373], %add3A_370 {strides = array<i32>} : memref<16x16xf32, #tpu.memory_space<vmem>>, vector<16xf32>,
      %add3A_375 = arith.constant 5 : i32
      %add3A_376 = arith.addi %mul3A_191, %add3A_375 : i32
      %get3A_377 = arith.index_cast %add3A_376 : i32 to index
      %get3A_378 = arith.constant 0 : index
      %get3A_379 = tpu.vector_load %arg9[%get3A_377, %get3A_378] {strides = array<i32>} : memref<512x64xf32, #tpu.memory_space<vmem>>, vector<16xf32>,
      %get3A_380 = arith.index_cast %add3A_376 : i32 to index
      %get3A_381 = arith.constant 0 : index
      %get3A_382 = tpu.vector_load %arg10[%get3A_380, %get3A_381] {strides = array<i32>} : memref<512x64xf32, #tpu.memory_space<vmem>>, vector<16xf32>,
      %mul3A_383 = arith.mulf %get3A_379, %get3A_382 : vector<16xf32>
      %get3A_384 = arith.index_cast %add3A_376 : i32 to index
      %get3A_385 = arith.constant 16 : index
      %get3A_386 = tpu.vector_load %arg9[%get3A_384, %get3A_385] {strides = array<i32>} : memref<512x64xf32, #tpu.memory_space<vmem>>, vector<16xf32>,
      %get3A_387 = arith.index_cast %add3A_376 : i32 to index
      %get3A_388 = arith.constant 16 : index
      %get3A_389 = tpu.vector_load %arg10[%get3A_387, %get3A_388] {strides = array<i32>} : memref<512x64xf32, #tpu.memory_space<vmem>>, vector<16xf32>,
      %mul3A_390 = arith.mulf %get3A_386, %get3A_389 : vector<16xf32>
      %add3A_391 = arith.addf %mul3A_383, %mul3A_390 : vector<16xf32>
      %get3A_392 = arith.index_cast %add3A_376 : i32 to index
      %get3A_393 = arith.constant 32 : index
      %get3A_394 = tpu.vector_load %arg9[%get3A_392, %get3A_393] {strides = array<i32>} : memref<512x64xf32, #tpu.memory_space<vmem>>, vector<16xf32>,
      %get3A_395 = arith.index_cast %add3A_376 : i32 to index
      %get3A_396 = arith.constant 32 : index
      %get3A_397 = tpu.vector_load %arg10[%get3A_395, %get3A_396] {strides = array<i32>} : memref<512x64xf32, #tpu.memory_space<vmem>>, vector<16xf32>,
      %mul3A_398 = arith.mulf %get3A_394, %get3A_397 : vector<16xf32>
      %add3A_399 = arith.addf %add3A_391, %mul3A_398 : vector<16xf32>
      %get3A_400 = arith.index_cast %add3A_376 : i32 to index
      %get3A_401 = arith.constant 48 : index
      %get3A_402 = tpu.vector_load %arg9[%get3A_400, %get3A_401] {strides = array<i32>} : memref<512x64xf32, #tpu.memory_space<vmem>>, vector<16xf32>,
      %get3A_403 = arith.index_cast %add3A_376 : i32 to index
      %get3A_404 = arith.constant 48 : index
      %get3A_405 = tpu.vector_load %arg10[%get3A_403, %get3A_404] {strides = array<i32>} : memref<512x64xf32, #tpu.memory_space<vmem>>, vector<16xf32>,
      %mul3A_406 = arith.mulf %get3A_402, %get3A_405 : vector<16xf32>
      %add3A_407 = arith.addf %add3A_399, %mul3A_406 : vector<16xf32>
      %swap3A_408 = arith.constant 5 : i32
      %swap3A_409 = arith.index_cast %swap3A_408 : i32 to index
      %swap3A_410 = arith.constant 0 : index
      %swap3A_411 = tpu.vector_load %arg11[%swap3A_409, %swap3A_410] {strides = array<i32>} : memref<16x16xf32, #tpu.memory_space<vmem>>, vector<16xf32>,
      tpu.vector_store %arg11[%swap3A_409, %swap3A_410], %add3A_407 {strides = array<i32>} : memref<16x16xf32, #tpu.memory_space<vmem>>, vector<16xf32>,
      %add3A_412 = arith.constant 6 : i32
      %add3A_413 = arith.addi %mul3A_191, %add3A_412 : i32
      %get3A_414 = arith.index_cast %add3A_413 : i32 to index
      %get3A_415 = arith.constant 0 : index
      %get3A_416 = tpu.vector_load %arg9[%get3A_414, %get3A_415] {strides = array<i32>} : memref<512x64xf32, #tpu.memory_space<vmem>>, vector<16xf32>,
      %get3A_417 = arith.index_cast %add3A_413 : i32 to index
      %get3A_418 = arith.constant 0 : index
      %get3A_419 = tpu.vector_load %arg10[%get3A_417, %get3A_418] {strides = array<i32>} : memref<512x64xf32, #tpu.memory_space<vmem>>, vector<16xf32>,
      %mul3A_420 = arith.mulf %get3A_416, %get3A_419 : vector<16xf32>
      %get3A_421 = arith.index_cast %add3A_413 : i32 to index
      %get3A_422 = arith.constant 16 : index
      %get3A_423 = tpu.vector_load %arg9[%get3A_421, %get3A_422] {strides = array<i32>} : memref<512x64xf32, #tpu.memory_space<vmem>>, vector<16xf32>,
      %get3A_424 = arith.index_cast %add3A_413 : i32 to index
      %get3A_425 = arith.constant 16 : index
      %get3A_426 = tpu.vector_load %arg10[%get3A_424, %get3A_425] {strides = array<i32>} : memref<512x64xf32, #tpu.memory_space<vmem>>, vector<16xf32>,
      %mul3A_427 = arith.mulf %get3A_423, %get3A_426 : vector<16xf32>
      %add3A_428 = arith.addf %mul3A_420, %mul3A_427 : vector<16xf32>
      %get3A_429 = arith.index_cast %add3A_413 : i32 to index
      %get3A_430 = arith.constant 32 : index
      %get3A_431 = tpu.vector_load %arg9[%get3A_429, %get3A_430] {strides = array<i32>} : memref<512x64xf32, #tpu.memory_space<vmem>>, vector<16xf32>,
      %get3A_432 = arith.index_cast %add3A_413 : i32 to index
      %get3A_433 = arith.constant 32 : index
      %get3A_434 = tpu.vector_load %arg10[%get3A_432, %get3A_433] {strides = array<i32>} : memref<512x64xf32, #tpu.memory_space<vmem>>, vector<16xf32>,
      %mul3A_435 = arith.mulf %get3A_431, %get3A_434 : vector<16xf32>
      %add3A_436 = arith.addf %add3A_428, %mul3A_435 : vector<16xf32>
      %get3A_437 = arith.index_cast %add3A_413 : i32 to index
      %get3A_438 = arith.constant 48 : index
      %get3A_439 = tpu.vector_load %arg9[%get3A_437, %get3A_438] {strides = array<i32>} : memref<512x64xf32, #tpu.memory_space<vmem>>, vector<16xf32>,
      %get3A_440 = arith.index_cast %add3A_413 : i32 to index
      %get3A_441 = arith.constant 48 : index
      %get3A_442 = tpu.vector_load %arg10[%get3A_440, %get3A_441] {strides = array<i32>} : memref<512x64xf32, #tpu.memory_space<vmem>>, vector<16xf32>,
      %mul3A_443 = arith.mulf %get3A_439, %get3A_442 : vector<16xf32>
      %add3A_444 = arith.addf %add3A_436, %mul3A_443 : vector<16xf32>
      %swap3A_445 = arith.constant 6 : i32
      %swap3A_446 = arith.index_cast %swap3A_445 : i32 to index
      %swap3A_447 = arith.constant 0 : index
      %swap3A_448 = tpu.vector_load %arg11[%swap3A_446, %swap3A_447] {strides = array<i32>} : memref<16x16xf32, #tpu.memory_space<vmem>>, vector<16xf32>,
      tpu.vector_store %arg11[%swap3A_446, %swap3A_447], %add3A_444 {strides = array<i32>} : memref<16x16xf32, #tpu.memory_space<vmem>>, vector<16xf32>,
      %add3A_449 = arith.constant 7 : i32
      %add3A_450 = arith.addi %mul3A_191, %add3A_449 : i32
      %get3A_451 = arith.index_cast %add3A_450 : i32 to index
      %get3A_452 = arith.constant 0 : index
      %get3A_453 = tpu.vector_load %arg9[%get3A_451, %get3A_452] {strides = array<i32>} : memref<512x64xf32, #tpu.memory_space<vmem>>, vector<16xf32>,
      %get3A_454 = arith.index_cast %add3A_450 : i32 to index
      %get3A_455 = arith.constant 0 : index
      %get3A_456 = tpu.vector_load %arg10[%get3A_454, %get3A_455] {strides = array<i32>} : memref<512x64xf32, #tpu.memory_space<vmem>>, vector<16xf32>,
      %mul3A_457 = arith.mulf %get3A_453, %get3A_456 : vector<16xf32>
      %get3A_458 = arith.index_cast %add3A_450 : i32 to index
      %get3A_459 = arith.constant 16 : index
      %get3A_460 = tpu.vector_load %arg9[%get3A_458, %get3A_459] {strides = array<i32>} : memref<512x64xf32, #tpu.memory_space<vmem>>, vector<16xf32>,
      %get3A_461 = arith.index_cast %add3A_450 : i32 to index
      %get3A_462 = arith.constant 16 : index
      %get3A_463 = tpu.vector_load %arg10[%get3A_461, %get3A_462] {strides = array<i32>} : memref<512x64xf32, #tpu.memory_space<vmem>>, vector<16xf32>,
      %mul3A_464 = arith.mulf %get3A_460, %get3A_463 : vector<16xf32>
      %add3A_465 = arith.addf %mul3A_457, %mul3A_464 : vector<16xf32>
      %get3A_466 = arith.index_cast %add3A_450 : i32 to index
      %get3A_467 = arith.constant 32 : index
      %get3A_468 = tpu.vector_load %arg9[%get3A_466, %get3A_467] {strides = array<i32>} : memref<512x64xf32, #tpu.memory_space<vmem>>, vector<16xf32>,
      %get3A_469 = arith.index_cast %add3A_450 : i32 to index
      %get3A_470 = arith.constant 32 : index
      %get3A_471 = tpu.vector_load %arg10[%get3A_469, %get3A_470] {strides = array<i32>} : memref<512x64xf32, #tpu.memory_space<vmem>>, vector<16xf32>,
      %mul3A_472 = arith.mulf %get3A_468, %get3A_471 : vector<16xf32>
      %add3A_473 = arith.addf %add3A_465, %mul3A_472 : vector<16xf32>
      %get3A_474 = arith.index_cast %add3A_450 : i32 to index
      %get3A_475 = arith.constant 48 : index
      %get3A_476 = tpu.vector_load %arg9[%get3A_474, %get3A_475] {strides = array<i32>} : memref<512x64xf32, #tpu.memory_space<vmem>>, vector<16xf32>,
      %get3A_477 = arith.index_cast %add3A_450 : i32 to index
      %get3A_478 = arith.constant 48 : index
      %get3A_479 = tpu.vector_load %arg10[%get3A_477, %get3A_478] {strides = array<i32>} : memref<512x64xf32, #tpu.memory_space<vmem>>, vector<16xf32>,
      %mul3A_480 = arith.mulf %get3A_476, %get3A_479 : vector<16xf32>
      %add3A_481 = arith.addf %add3A_473, %mul3A_480 : vector<16xf32>
      %swap3A_482 = arith.constant 7 : i32
      %swap3A_483 = arith.index_cast %swap3A_482 : i32 to index
      %swap3A_484 = arith.constant 0 : index
      %swap3A_485 = tpu.vector_load %arg11[%swap3A_483, %swap3A_484] {strides = array<i32>} : memref<16x16xf32, #tpu.memory_space<vmem>>, vector<16xf32>,
      tpu.vector_store %arg11[%swap3A_483, %swap3A_484], %add3A_481 {strides = array<i32>} : memref<16x16xf32, #tpu.memory_space<vmem>>, vector<16xf32>,
      %add3A_486 = arith.constant 8 : i32
      %add3A_487 = arith.addi %mul3A_191, %add3A_486 : i32
      %get3A_488 = arith.index_cast %add3A_487 : i32 to index
      %get3A_489 = arith.constant 0 : index
      %get3A_490 = tpu.vector_load %arg9[%get3A_488, %get3A_489] {strides = array<i32>} : memref<512x64xf32, #tpu.memory_space<vmem>>, vector<16xf32>,
      %get3A_491 = arith.index_cast %add3A_487 : i32 to index
      %get3A_492 = arith.constant 0 : index
      %get3A_493 = tpu.vector_load %arg10[%get3A_491, %get3A_492] {strides = array<i32>} : memref<512x64xf32, #tpu.memory_space<vmem>>, vector<16xf32>,
      %mul3A_494 = arith.mulf %get3A_490, %get3A_493 : vector<16xf32>
      %get3A_495 = arith.index_cast %add3A_487 : i32 to index
      %get3A_496 = arith.constant 16 : index
      %get3A_497 = tpu.vector_load %arg9[%get3A_495, %get3A_496] {strides = array<i32>} : memref<512x64xf32, #tpu.memory_space<vmem>>, vector<16xf32>,
      %get3A_498 = arith.index_cast %add3A_487 : i32 to index
      %get3A_499 = arith.constant 16 : index
      %get3A_500 = tpu.vector_load %arg10[%get3A_498, %get3A_499] {strides = array<i32>} : memref<512x64xf32, #tpu.memory_space<vmem>>, vector<16xf32>,
      %mul3A_501 = arith.mulf %get3A_497, %get3A_500 : vector<16xf32>
      %add3A_502 = arith.addf %mul3A_494, %mul3A_501 : vector<16xf32>
      %get3A_503 = arith.index_cast %add3A_487 : i32 to index
      %get3A_504 = arith.constant 32 : index
      %get3A_505 = tpu.vector_load %arg9[%get3A_503, %get3A_504] {strides = array<i32>} : memref<512x64xf32, #tpu.memory_space<vmem>>, vector<16xf32>,
      %get3A_506 = arith.index_cast %add3A_487 : i32 to index
      %get3A_507 = arith.constant 32 : index
      %get3A_508 = tpu.vector_load %arg10[%get3A_506, %get3A_507] {strides = array<i32>} : memref<512x64xf32, #tpu.memory_space<vmem>>, vector<16xf32>,
      %mul3A_509 = arith.mulf %get3A_505, %get3A_508 : vector<16xf32>
      %add3A_510 = arith.addf %add3A_502, %mul3A_509 : vector<16xf32>
      %get3A_511 = arith.index_cast %add3A_487 : i32 to index
      %get3A_512 = arith.constant 48 : index
      %get3A_513 = tpu.vector_load %arg9[%get3A_511, %get3A_512] {strides = array<i32>} : memref<512x64xf32, #tpu.memory_space<vmem>>, vector<16xf32>,
      %get3A_514 = arith.index_cast %add3A_487 : i32 to index
      %get3A_515 = arith.constant 48 : index
      %get3A_516 = tpu.vector_load %arg10[%get3A_514, %get3A_515] {strides = array<i32>} : memref<512x64xf32, #tpu.memory_space<vmem>>, vector<16xf32>,
      %mul3A_517 = arith.mulf %get3A_513, %get3A_516 : vector<16xf32>
      %add3A_518 = arith.addf %add3A_510, %mul3A_517 : vector<16xf32>
      %swap3A_519 = arith.constant 8 : i32
      %swap3A_520 = arith.index_cast %swap3A_519 : i32 to index
      %swap3A_521 = arith.constant 0 : index
      %swap3A_522 = tpu.vector_load %arg11[%swap3A_520, %swap3A_521] {strides = array<i32>} : memref<16x16xf32, #tpu.memory_space<vmem>>, vector<16xf32>,
      tpu.vector_store %arg11[%swap3A_520, %swap3A_521], %add3A_518 {strides = array<i32>} : memref<16x16xf32, #tpu.memory_space<vmem>>, vector<16xf32>,
      %add3A_523 = arith.constant 9 : i32
      %add3A_524 = arith.addi %mul3A_191, %add3A_523 : i32
      %get3A_525 = arith.index_cast %add3A_524 : i32 to index
      %get3A_526 = arith.constant 0 : index
      %get3A_527 = tpu.vector_load %arg9[%get3A_525, %get3A_526] {strides = array<i32>} : memref<512x64xf32, #tpu.memory_space<vmem>>, vector<16xf32>,
      %get3A_528 = arith.index_cast %add3A_524 : i32 to index
      %get3A_529 = arith.constant 0 : index
      %get3A_530 = tpu.vector_load %arg10[%get3A_528, %get3A_529] {strides = array<i32>} : memref<512x64xf32, #tpu.memory_space<vmem>>, vector<16xf32>,
      %mul3A_531 = arith.mulf %get3A_527, %get3A_530 : vector<16xf32>
      %get3A_532 = arith.index_cast %add3A_524 : i32 to index
      %get3A_533 = arith.constant 16 : index
      %get3A_534 = tpu.vector_load %arg9[%get3A_532, %get3A_533] {strides = array<i32>} : memref<512x64xf32, #tpu.memory_space<vmem>>, vector<16xf32>,
      %get3A_535 = arith.index_cast %add3A_524 : i32 to index
      %get3A_536 = arith.constant 16 : index
      %get3A_537 = tpu.vector_load %arg10[%get3A_535, %get3A_536] {strides = array<i32>} : memref<512x64xf32, #tpu.memory_space<vmem>>, vector<16xf32>,
      %mul3A_538 = arith.mulf %get3A_534, %get3A_537 : vector<16xf32>
      %add3A_539 = arith.addf %mul3A_531, %mul3A_538 : vector<16xf32>
      %get3A_540 = arith.index_cast %add3A_524 : i32 to index
      %get3A_541 = arith.constant 32 : index
      %get3A_542 = tpu.vector_load %arg9[%get3A_540, %get3A_541] {strides = array<i32>} : memref<512x64xf32, #tpu.memory_space<vmem>>, vector<16xf32>,
      %get3A_543 = arith.index_cast %add3A_524 : i32 to index
      %get3A_544 = arith.constant 32 : index
      %get3A_545 = tpu.vector_load %arg10[%get3A_543, %get3A_544] {strides = array<i32>} : memref<512x64xf32, #tpu.memory_space<vmem>>, vector<16xf32>,
      %mul3A_546 = arith.mulf %get3A_542, %get3A_545 : vector<16xf32>
      %add3A_547 = arith.addf %add3A_539, %mul3A_546 : vector<16xf32>
      %get3A_548 = arith.index_cast %add3A_524 : i32 to index
      %get3A_549 = arith.constant 48 : index
      %get3A_550 = tpu.vector_load %arg9[%get3A_548, %get3A_549] {strides = array<i32>} : memref<512x64xf32, #tpu.memory_space<vmem>>, vector<16xf32>,
      %get3A_551 = arith.index_cast %add3A_524 : i32 to index
      %get3A_552 = arith.constant 48 : index
      %get3A_553 = tpu.vector_load %arg10[%get3A_551, %get3A_552] {strides = array<i32>} : memref<512x64xf32, #tpu.memory_space<vmem>>, vector<16xf32>,
      %mul3A_554 = arith.mulf %get3A_550, %get3A_553 : vector<16xf32>
      %add3A_555 = arith.addf %add3A_547, %mul3A_554 : vector<16xf32>
      %swap3A_556 = arith.constant 9 : i32
      %swap3A_557 = arith.index_cast %swap3A_556 : i32 to index
      %swap3A_558 = arith.constant 0 : index
      %swap3A_559 = tpu.vector_load %arg11[%swap3A_557, %swap3A_558] {strides = array<i32>} : memref<16x16xf32, #tpu.memory_space<vmem>>, vector<16xf32>,
      tpu.vector_store %arg11[%swap3A_557, %swap3A_558], %add3A_555 {strides = array<i32>} : memref<16x16xf32, #tpu.memory_space<vmem>>, vector<16xf32>,
      %add3A_560 = arith.constant 10 : i32
      %add3A_561 = arith.addi %mul3A_191, %add3A_560 : i32
      %get3A_562 = arith.index_cast %add3A_561 : i32 to index
      %get3A_563 = arith.constant 0 : index
      %get3A_564 = tpu.vector_load %arg9[%get3A_562, %get3A_563] {strides = array<i32>} : memref<512x64xf32, #tpu.memory_space<vmem>>, vector<16xf32>,
      %get3A_565 = arith.index_cast %add3A_561 : i32 to index
      %get3A_566 = arith.constant 0 : index
      %get3A_567 = tpu.vector_load %arg10[%get3A_565, %get3A_566] {strides = array<i32>} : memref<512x64xf32, #tpu.memory_space<vmem>>, vector<16xf32>,
      %mul3A_568 = arith.mulf %get3A_564, %get3A_567 : vector<16xf32>
      %get3A_569 = arith.index_cast %add3A_561 : i32 to index
      %get3A_570 = arith.constant 16 : index
      %get3A_571 = tpu.vector_load %arg9[%get3A_569, %get3A_570] {strides = array<i32>} : memref<512x64xf32, #tpu.memory_space<vmem>>, vector<16xf32>,
      %get3A_572 = arith.index_cast %add3A_561 : i32 to index
      %get3A_573 = arith.constant 16 : index
      %get3A_574 = tpu.vector_load %arg10[%get3A_572, %get3A_573] {strides = array<i32>} : memref<512x64xf32, #tpu.memory_space<vmem>>, vector<16xf32>,
      %mul3A_575 = arith.mulf %get3A_571, %get3A_574 : vector<16xf32>
      %add3A_576 = arith.addf %mul3A_568, %mul3A_575 : vector<16xf32>
      %get3A_577 = arith.index_cast %add3A_561 : i32 to index
      %get3A_578 = arith.constant 32 : index
      %get3A_579 = tpu.vector_load %arg9[%get3A_577, %get3A_578] {strides = array<i32>} : memref<512x64xf32, #tpu.memory_space<vmem>>, vector<16xf32>,
      %get3A_580 = arith.index_cast %add3A_561 : i32 to index
      %get3A_581 = arith.constant 32 : index
      %get3A_582 = tpu.vector_load %arg10[%get3A_580, %get3A_581] {strides = array<i32>} : memref<512x64xf32, #tpu.memory_space<vmem>>, vector<16xf32>,
      %mul3A_583 = arith.mulf %get3A_579, %get3A_582 : vector<16xf32>
      %add3A_584 = arith.addf %add3A_576, %mul3A_583 : vector<16xf32>
      %get3A_585 = arith.index_cast %add3A_561 : i32 to index
      %get3A_586 = arith.constant 48 : index
      %get3A_587 = tpu.vector_load %arg9[%get3A_585, %get3A_586] {strides = array<i32>} : memref<512x64xf32, #tpu.memory_space<vmem>>, vector<16xf32>,
      %get3A_588 = arith.index_cast %add3A_561 : i32 to index
      %get3A_589 = arith.constant 48 : index
      %get3A_590 = tpu.vector_load %arg10[%get3A_588, %get3A_589] {strides = array<i32>} : memref<512x64xf32, #tpu.memory_space<vmem>>, vector<16xf32>,
      %mul3A_591 = arith.mulf %get3A_587, %get3A_590 : vector<16xf32>
      %add3A_592 = arith.addf %add3A_584, %mul3A_591 : vector<16xf32>
      %swap3A_593 = arith.constant 10 : i32
      %swap3A_594 = arith.index_cast %swap3A_593 : i32 to index
      %swap3A_595 = arith.constant 0 : index
      %swap3A_596 = tpu.vector_load %arg11[%swap3A_594, %swap3A_595] {strides = array<i32>} : memref<16x16xf32, #tpu.memory_space<vmem>>, vector<16xf32>,
      tpu.vector_store %arg11[%swap3A_594, %swap3A_595], %add3A_592 {strides = array<i32>} : memref<16x16xf32, #tpu.memory_space<vmem>>, vector<16xf32>,
      %add3A_597 = arith.constant 11 : i32
      %add3A_598 = arith.addi %mul3A_191, %add3A_597 : i32
      %get3A_599 = arith.index_cast %add3A_598 : i32 to index
      %get3A_600 = arith.constant 0 : index
      %get3A_601 = tpu.vector_load %arg9[%get3A_599, %get3A_600] {strides = array<i32>} : memref<512x64xf32, #tpu.memory_space<vmem>>, vector<16xf32>,
      %get3A_602 = arith.index_cast %add3A_598 : i32 to index
      %get3A_603 = arith.constant 0 : index
      %get3A_604 = tpu.vector_load %arg10[%get3A_602, %get3A_603] {strides = array<i32>} : memref<512x64xf32, #tpu.memory_space<vmem>>, vector<16xf32>,
      %mul3A_605 = arith.mulf %get3A_601, %get3A_604 : vector<16xf32>
      %get3A_606 = arith.index_cast %add3A_598 : i32 to index
      %get3A_607 = arith.constant 16 : index
      %get3A_608 = tpu.vector_load %arg9[%get3A_606, %get3A_607] {strides = array<i32>} : memref<512x64xf32, #tpu.memory_space<vmem>>, vector<16xf32>,
      %get3A_609 = arith.index_cast %add3A_598 : i32 to index
      %get3A_610 = arith.constant 16 : index
      %get3A_611 = tpu.vector_load %arg10[%get3A_609, %get3A_610] {strides = array<i32>} : memref<512x64xf32, #tpu.memory_space<vmem>>, vector<16xf32>,
      %mul3A_612 = arith.mulf %get3A_608, %get3A_611 : vector<16xf32>
      %add3A_613 = arith.addf %mul3A_605, %mul3A_612 : vector<16xf32>
      %get3A_614 = arith.index_cast %add3A_598 : i32 to index
      %get3A_615 = arith.constant 32 : index
      %get3A_616 = tpu.vector_load %arg9[%get3A_614, %get3A_615] {strides = array<i32>} : memref<512x64xf32, #tpu.memory_space<vmem>>, vector<16xf32>,
      %get3A_617 = arith.index_cast %add3A_598 : i32 to index
      %get3A_618 = arith.constant 32 : index
      %get3A_619 = tpu.vector_load %arg10[%get3A_617, %get3A_618] {strides = array<i32>} : memref<512x64xf32, #tpu.memory_space<vmem>>, vector<16xf32>,
      %mul3A_620 = arith.mulf %get3A_616, %get3A_619 : vector<16xf32>
      %add3A_621 = arith.addf %add3A_613, %mul3A_620 : vector<16xf32>
      %get3A_622 = arith.index_cast %add3A_598 : i32 to index
      %get3A_623 = arith.constant 48 : index
      %get3A_624 = tpu.vector_load %arg9[%get3A_622, %get3A_623] {strides = array<i32>} : memref<512x64xf32, #tpu.memory_space<vmem>>, vector<16xf32>,
      %get3A_625 = arith.index_cast %add3A_598 : i32 to index
      %get3A_626 = arith.constant 48 : index
      %get3A_627 = tpu.vector_load %arg10[%get3A_625, %get3A_626] {strides = array<i32>} : memref<512x64xf32, #tpu.memory_space<vmem>>, vector<16xf32>,
      %mul3A_628 = arith.mulf %get3A_624, %get3A_627 : vector<16xf32>
      %add3A_629 = arith.addf %add3A_621, %mul3A_628 : vector<16xf32>
      %swap3A_630 = arith.constant 11 : i32
      %swap3A_631 = arith.index_cast %swap3A_630 : i32 to index
      %swap3A_632 = arith.constant 0 : index
      %swap3A_633 = tpu.vector_load %arg11[%swap3A_631, %swap3A_632] {strides = array<i32>} : memref<16x16xf32, #tpu.memory_space<vmem>>, vector<16xf32>,
      tpu.vector_store %arg11[%swap3A_631, %swap3A_632], %add3A_629 {strides = array<i32>} : memref<16x16xf32, #tpu.memory_space<vmem>>, vector<16xf32>,
      %add3A_634 = arith.constant 12 : i32
      %add3A_635 = arith.addi %mul3A_191, %add3A_634 : i32
      %get3A_636 = arith.index_cast %add3A_635 : i32 to index
      %get3A_637 = arith.constant 0 : index
      %get3A_638 = tpu.vector_load %arg9[%get3A_636, %get3A_637] {strides = array<i32>} : memref<512x64xf32, #tpu.memory_space<vmem>>, vector<16xf32>,
      %get3A_639 = arith.index_cast %add3A_635 : i32 to index
      %get3A_640 = arith.constant 0 : index
      %get3A_641 = tpu.vector_load %arg10[%get3A_639, %get3A_640] {strides = array<i32>} : memref<512x64xf32, #tpu.memory_space<vmem>>, vector<16xf32>,
      %mul3A_642 = arith.mulf %get3A_638, %get3A_641 : vector<16xf32>
      %get3A_643 = arith.index_cast %add3A_635 : i32 to index
      %get3A_644 = arith.constant 16 : index
      %get3A_645 = tpu.vector_load %arg9[%get3A_643, %get3A_644] {strides = array<i32>} : memref<512x64xf32, #tpu.memory_space<vmem>>, vector<16xf32>,
      %get3A_646 = arith.index_cast %add3A_635 : i32 to index
      %get3A_647 = arith.constant 16 : index
      %get3A_648 = tpu.vector_load %arg10[%get3A_646, %get3A_647] {strides = array<i32>} : memref<512x64xf32, #tpu.memory_space<vmem>>, vector<16xf32>,
      %mul3A_649 = arith.mulf %get3A_645, %get3A_648 : vector<16xf32>
      %add3A_650 = arith.addf %mul3A_642, %mul3A_649 : vector<16xf32>
      %get3A_651 = arith.index_cast %add3A_635 : i32 to index
      %get3A_652 = arith.constant 32 : index
      %get3A_653 = tpu.vector_load %arg9[%get3A_651, %get3A_652] {strides = array<i32>} : memref<512x64xf32, #tpu.memory_space<vmem>>, vector<16xf32>,
      %get3A_654 = arith.index_cast %add3A_635 : i32 to index
      %get3A_655 = arith.constant 32 : index
      %get3A_656 = tpu.vector_load %arg10[%get3A_654, %get3A_655] {strides = array<i32>} : memref<512x64xf32, #tpu.memory_space<vmem>>, vector<16xf32>,
      %mul3A_657 = arith.mulf %get3A_653, %get3A_656 : vector<16xf32>
      %add3A_658 = arith.addf %add3A_650, %mul3A_657 : vector<16xf32>
      %get3A_659 = arith.index_cast %add3A_635 : i32 to index
      %get3A_660 = arith.constant 48 : index
      %get3A_661 = tpu.vector_load %arg9[%get3A_659, %get3A_660] {strides = array<i32>} : memref<512x64xf32, #tpu.memory_space<vmem>>, vector<16xf32>,
      %get3A_662 = arith.index_cast %add3A_635 : i32 to index
      %get3A_663 = arith.constant 48 : index
      %get3A_664 = tpu.vector_load %arg10[%get3A_662, %get3A_663] {strides = array<i32>} : memref<512x64xf32, #tpu.memory_space<vmem>>, vector<16xf32>,
      %mul3A_665 = arith.mulf %get3A_661, %get3A_664 : vector<16xf32>
      %add3A_666 = arith.addf %add3A_658, %mul3A_665 : vector<16xf32>
      %swap3A_667 = arith.constant 12 : i32
      %swap3A_668 = arith.index_cast %swap3A_667 : i32 to index
      %swap3A_669 = arith.constant 0 : index
      %swap3A_670 = tpu.vector_load %arg11[%swap3A_668, %swap3A_669] {strides = array<i32>} : memref<16x16xf32, #tpu.memory_space<vmem>>, vector<16xf32>,
      tpu.vector_store %arg11[%swap3A_668, %swap3A_669], %add3A_666 {strides = array<i32>} : memref<16x16xf32, #tpu.memory_space<vmem>>, vector<16xf32>,
      %add3A_671 = arith.constant 13 : i32
      %add3A_672 = arith.addi %mul3A_191, %add3A_671 : i32
      %get3A_673 = arith.index_cast %add3A_672 : i32 to index
      %get3A_674 = arith.constant 0 : index
      %get3A_675 = tpu.vector_load %arg9[%get3A_673, %get3A_674] {strides = array<i32>} : memref<512x64xf32, #tpu.memory_space<vmem>>, vector<16xf32>,
      %get3A_676 = arith.index_cast %add3A_672 : i32 to index
      %get3A_677 = arith.constant 0 : index
      %get3A_678 = tpu.vector_load %arg10[%get3A_676, %get3A_677] {strides = array<i32>} : memref<512x64xf32, #tpu.memory_space<vmem>>, vector<16xf32>,
      %mul3A_679 = arith.mulf %get3A_675, %get3A_678 : vector<16xf32>
      %get3A_680 = arith.index_cast %add3A_672 : i32 to index
      %get3A_681 = arith.constant 16 : index
      %get3A_682 = tpu.vector_load %arg9[%get3A_680, %get3A_681] {strides = array<i32>} : memref<512x64xf32, #tpu.memory_space<vmem>>, vector<16xf32>,
      %get3A_683 = arith.index_cast %add3A_672 : i32 to index
      %get3A_684 = arith.constant 16 : index
      %get3A_685 = tpu.vector_load %arg10[%get3A_683, %get3A_684] {strides = array<i32>} : memref<512x64xf32, #tpu.memory_space<vmem>>, vector<16xf32>,
      %mul3A_686 = arith.mulf %get3A_682, %get3A_685 : vector<16xf32>
      %add3A_687 = arith.addf %mul3A_679, %mul3A_686 : vector<16xf32>
      %get3A_688 = arith.index_cast %add3A_672 : i32 to index
      %get3A_689 = arith.constant 32 : index
      %get3A_690 = tpu.vector_load %arg9[%get3A_688, %get3A_689] {strides = array<i32>} : memref<512x64xf32, #tpu.memory_space<vmem>>, vector<16xf32>,
      %get3A_691 = arith.index_cast %add3A_672 : i32 to index
      %get3A_692 = arith.constant 32 : index
      %get3A_693 = tpu.vector_load %arg10[%get3A_691, %get3A_692] {strides = array<i32>} : memref<512x64xf32, #tpu.memory_space<vmem>>, vector<16xf32>,
      %mul3A_694 = arith.mulf %get3A_690, %get3A_693 : vector<16xf32>
      %add3A_695 = arith.addf %add3A_687, %mul3A_694 : vector<16xf32>
      %get3A_696 = arith.index_cast %add3A_672 : i32 to index
      %get3A_697 = arith.constant 48 : index
      %get3A_698 = tpu.vector_load %arg9[%get3A_696, %get3A_697] {strides = array<i32>} : memref<512x64xf32, #tpu.memory_space<vmem>>, vector<16xf32>,
      %get3A_699 = arith.index_cast %add3A_672 : i32 to index
      %get3A_700 = arith.constant 48 : index
      %get3A_701 = tpu.vector_load %arg10[%get3A_699, %get3A_700] {strides = array<i32>} : memref<512x64xf32, #tpu.memory_space<vmem>>, vector<16xf32>,
      %mul3A_702 = arith.mulf %get3A_698, %get3A_701 : vector<16xf32>
      %add3A_703 = arith.addf %add3A_695, %mul3A_702 : vector<16xf32>
      %swap3A_704 = arith.constant 13 : i32
      %swap3A_705 = arith.index_cast %swap3A_704 : i32 to index
      %swap3A_706 = arith.constant 0 : index
      %swap3A_707 = tpu.vector_load %arg11[%swap3A_705, %swap3A_706] {strides = array<i32>} : memref<16x16xf32, #tpu.memory_space<vmem>>, vector<16xf32>,
      tpu.vector_store %arg11[%swap3A_705, %swap3A_706], %add3A_703 {strides = array<i32>} : memref<16x16xf32, #tpu.memory_space<vmem>>, vector<16xf32>,
      %add3A_708 = arith.constant 14 : i32
      %add3A_709 = arith.addi %mul3A_191, %add3A_708 : i32
      %get3A_710 = arith.index_cast %add3A_709 : i32 to index
      %get3A_711 = arith.constant 0 : index
      %get3A_712 = tpu.vector_load %arg9[%get3A_710, %get3A_711] {strides = array<i32>} : memref<512x64xf32, #tpu.memory_space<vmem>>, vector<16xf32>,
      %get3A_713 = arith.index_cast %add3A_709 : i32 to index
      %get3A_714 = arith.constant 0 : index
      %get3A_715 = tpu.vector_load %arg10[%get3A_713, %get3A_714] {strides = array<i32>} : memref<512x64xf32, #tpu.memory_space<vmem>>, vector<16xf32>,
      %mul3A_716 = arith.mulf %get3A_712, %get3A_715 : vector<16xf32>
      %get3A_717 = arith.index_cast %add3A_709 : i32 to index
      %get3A_718 = arith.constant 16 : index
      %get3A_719 = tpu.vector_load %arg9[%get3A_717, %get3A_718] {strides = array<i32>} : memref<512x64xf32, #tpu.memory_space<vmem>>, vector<16xf32>,
      %get3A_720 = arith.index_cast %add3A_709 : i32 to index
      %get3A_721 = arith.constant 16 : index
      %get3A_722 = tpu.vector_load %arg10[%get3A_720, %get3A_721] {strides = array<i32>} : memref<512x64xf32, #tpu.memory_space<vmem>>, vector<16xf32>,
      %mul3A_723 = arith.mulf %get3A_719, %get3A_722 : vector<16xf32>
      %add3A_724 = arith.addf %mul3A_716, %mul3A_723 : vector<16xf32>
      %get3A_725 = arith.index_cast %add3A_709 : i32 to index
      %get3A_726 = arith.constant 32 : index
      %get3A_727 = tpu.vector_load %arg9[%get3A_725, %get3A_726] {strides = array<i32>} : memref<512x64xf32, #tpu.memory_space<vmem>>, vector<16xf32>,
      %get3A_728 = arith.index_cast %add3A_709 : i32 to index
      %get3A_729 = arith.constant 32 : index
      %get3A_730 = tpu.vector_load %arg10[%get3A_728, %get3A_729] {strides = array<i32>} : memref<512x64xf32, #tpu.memory_space<vmem>>, vector<16xf32>,
      %mul3A_731 = arith.mulf %get3A_727, %get3A_730 : vector<16xf32>
      %add3A_732 = arith.addf %add3A_724, %mul3A_731 : vector<16xf32>
      %get3A_733 = arith.index_cast %add3A_709 : i32 to index
      %get3A_734 = arith.constant 48 : index
      %get3A_735 = tpu.vector_load %arg9[%get3A_733, %get3A_734] {strides = array<i32>} : memref<512x64xf32, #tpu.memory_space<vmem>>, vector<16xf32>,
      %get3A_736 = arith.index_cast %add3A_709 : i32 to index
      %get3A_737 = arith.constant 48 : index
      %get3A_738 = tpu.vector_load %arg10[%get3A_736, %get3A_737] {strides = array<i32>} : memref<512x64xf32, #tpu.memory_space<vmem>>, vector<16xf32>,
      %mul3A_739 = arith.mulf %get3A_735, %get3A_738 : vector<16xf32>
      %add3A_740 = arith.addf %add3A_732, %mul3A_739 : vector<16xf32>
      %swap3A_741 = arith.constant 14 : i32
      %swap3A_742 = arith.index_cast %swap3A_741 : i32 to index
      %swap3A_743 = arith.constant 0 : index
      %swap3A_744 = tpu.vector_load %arg11[%swap3A_742, %swap3A_743] {strides = array<i32>} : memref<16x16xf32, #tpu.memory_space<vmem>>, vector<16xf32>,
      tpu.vector_store %arg11[%swap3A_742, %swap3A_743], %add3A_740 {strides = array<i32>} : memref<16x16xf32, #tpu.memory_space<vmem>>, vector<16xf32>,
      %add3A_745 = arith.constant 15 : i32
      %add3A_746 = arith.addi %mul3A_191, %add3A_745 : i32
      %get3A_747 = arith.index_cast %add3A_746 : i32 to index
      %get3A_748 = arith.constant 0 : index
      %get3A_749 = tpu.vector_load %arg9[%get3A_747, %get3A_748] {strides = array<i32>} : memref<512x64xf32, #tpu.memory_space<vmem>>, vector<16xf32>,
      %get3A_750 = arith.index_cast %add3A_746 : i32 to index
      %get3A_751 = arith.constant 0 : index
      %get3A_752 = tpu.vector_load %arg10[%get3A_750, %get3A_751] {strides = array<i32>} : memref<512x64xf32, #tpu.memory_space<vmem>>, vector<16xf32>,
      %mul3A_753 = arith.mulf %get3A_749, %get3A_752 : vector<16xf32>
      %get3A_754 = arith.index_cast %add3A_746 : i32 to index
      %get3A_755 = arith.constant 16 : index
      %get3A_756 = tpu.vector_load %arg9[%get3A_754, %get3A_755] {strides = array<i32>} : memref<512x64xf32, #tpu.memory_space<vmem>>, vector<16xf32>,
      %get3A_757 = arith.index_cast %add3A_746 : i32 to index
      %get3A_758 = arith.constant 16 : index
      %get3A_759 = tpu.vector_load %arg10[%get3A_757, %get3A_758] {strides = array<i32>} : memref<512x64xf32, #tpu.memory_space<vmem>>, vector<16xf32>,
      %mul3A_760 = arith.mulf %get3A_756, %get3A_759 : vector<16xf32>
      %add3A_761 = arith.addf %mul3A_753, %mul3A_760 : vector<16xf32>
      %get3A_762 = arith.index_cast %add3A_746 : i32 to index
      %get3A_763 = arith.constant 32 : index
      %get3A_764 = tpu.vector_load %arg9[%get3A_762, %get3A_763] {strides = array<i32>} : memref<512x64xf32, #tpu.memory_space<vmem>>, vector<16xf32>,
      %get3A_765 = arith.index_cast %add3A_746 : i32 to index
      %get3A_766 = arith.constant 32 : index
      %get3A_767 = tpu.vector_load %arg10[%get3A_765, %get3A_766] {strides = array<i32>} : memref<512x64xf32, #tpu.memory_space<vmem>>, vector<16xf32>,
      %mul3A_768 = arith.mulf %get3A_764, %get3A_767 : vector<16xf32>
      %add3A_769 = arith.addf %add3A_761, %mul3A_768 : vector<16xf32>
      %get3A_770 = arith.index_cast %add3A_746 : i32 to index
      %get3A_771 = arith.constant 48 : index
      %get3A_772 = tpu.vector_load %arg9[%get3A_770, %get3A_771] {strides = array<i32>} : memref<512x64xf32, #tpu.memory_space<vmem>>, vector<16xf32>,
      %get3A_773 = arith.index_cast %add3A_746 : i32 to index
      %get3A_774 = arith.constant 48 : index
      %get3A_775 = tpu.vector_load %arg10[%get3A_773, %get3A_774] {strides = array<i32>} : memref<512x64xf32, #tpu.memory_space<vmem>>, vector<16xf32>,
      %mul3A_776 = arith.mulf %get3A_772, %get3A_775 : vector<16xf32>
      %add3A_777 = arith.addf %add3A_769, %mul3A_776 : vector<16xf32>
      %swap3A_778 = arith.constant 15 : i32
      %swap3A_779 = arith.index_cast %swap3A_778 : i32 to index
      %swap3A_780 = arith.constant 0 : index
      %swap3A_781 = tpu.vector_load %arg11[%swap3A_779, %swap3A_780] {strides = array<i32>} : memref<16x16xf32, #tpu.memory_space<vmem>>, vector<16xf32>,
      tpu.vector_store %arg11[%swap3A_779, %swap3A_780], %add3A_777 {strides = array<i32>} : memref<16x16xf32, #tpu.memory_space<vmem>>, vector<16xf32>,
      %broadcast_in_dim3A = arith.constant 0.000000e+00 : f32
      %broadcast_in_dim3A_782 = vector.broadcast %broadcast_in_dim3A : f32 to vector<16xf32>
      %broadcast_in_dim3A_783 = arith.constant 0 : i32
      %broadcast_in_dim3A_784 = vector.broadcast %broadcast_in_dim3A_783 : i32 to vector<16xi32>
      %gather3A = tpu.vector_load_idx %arg11[%iota3A, %broadcast_in_dim3A_784] : memref<16x16xf32, #tpu.memory_space<vmem>>[vector<16xi32>, vector<16xi32>], vector<16xf32>,
      %add3A_785 = arith.addf %broadcast_in_dim3A_782, %gather3A : vector<16xf32>
      %broadcast_in_dim3A_786 = arith.constant 1 : i32
      %broadcast_in_dim3A_787 = vector.broadcast %broadcast_in_dim3A_786 : i32 to vector<16xi32>
      %gather3A_788 = tpu.vector_load_idx %arg11[%iota3A, %broadcast_in_dim3A_787] : memref<16x16xf32, #tpu.memory_space<vmem>>[vector<16xi32>, vector<16xi32>], vector<16xf32>,
      %add3A_789 = arith.addf %add3A_785, %gather3A_788 : vector<16xf32>
      %broadcast_in_dim3A_790 = arith.constant 2 : i32
      %broadcast_in_dim3A_791 = vector.broadcast %broadcast_in_dim3A_790 : i32 to vector<16xi32>
      %gather3A_792 = tpu.vector_load_idx %arg11[%iota3A, %broadcast_in_dim3A_791] : memref<16x16xf32, #tpu.memory_space<vmem>>[vector<16xi32>, vector<16xi32>], vector<16xf32>,
      %add3A_793 = arith.addf %add3A_789, %gather3A_792 : vector<16xf32>
      %broadcast_in_dim3A_794 = arith.constant 3 : i32
      %broadcast_in_dim3A_795 = vector.broadcast %broadcast_in_dim3A_794 : i32 to vector<16xi32>
      %gather3A_796 = tpu.vector_load_idx %arg11[%iota3A, %broadcast_in_dim3A_795] : memref<16x16xf32, #tpu.memory_space<vmem>>[vector<16xi32>, vector<16xi32>], vector<16xf32>,
      %add3A_797 = arith.addf %add3A_793, %gather3A_796 : vector<16xf32>
      %broadcast_in_dim3A_798 = arith.constant 4 : i32
      %broadcast_in_dim3A_799 = vector.broadcast %broadcast_in_dim3A_798 : i32 to vector<16xi32>
      %gather3A_800 = tpu.vector_load_idx %arg11[%iota3A, %broadcast_in_dim3A_799] : memref<16x16xf32, #tpu.memory_space<vmem>>[vector<16xi32>, vector<16xi32>], vector<16xf32>,
      %add3A_801 = arith.addf %add3A_797, %gather3A_800 : vector<16xf32>
      %broadcast_in_dim3A_802 = arith.constant 5 : i32
      %broadcast_in_dim3A_803 = vector.broadcast %broadcast_in_dim3A_802 : i32 to vector<16xi32>
      %gather3A_804 = tpu.vector_load_idx %arg11[%iota3A, %broadcast_in_dim3A_803] : memref<16x16xf32, #tpu.memory_space<vmem>>[vector<16xi32>, vector<16xi32>], vector<16xf32>,
      %add3A_805 = arith.addf %add3A_801, %gather3A_804 : vector<16xf32>
      %broadcast_in_dim3A_806 = arith.constant 6 : i32
      %broadcast_in_dim3A_807 = vector.broadcast %broadcast_in_dim3A_806 : i32 to vector<16xi32>
      %gather3A_808 = tpu.vector_load_idx %arg11[%iota3A, %broadcast_in_dim3A_807] : memref<16x16xf32, #tpu.memory_space<vmem>>[vector<16xi32>, vector<16xi32>], vector<16xf32>,
      %add3A_809 = arith.addf %add3A_805, %gather3A_808 : vector<16xf32>
      %broadcast_in_dim3A_810 = arith.constant 7 : i32
      %broadcast_in_dim3A_811 = vector.broadcast %broadcast_in_dim3A_810 : i32 to vector<16xi32>
      %gather3A_812 = tpu.vector_load_idx %arg11[%iota3A, %broadcast_in_dim3A_811] : memref<16x16xf32, #tpu.memory_space<vmem>>[vector<16xi32>, vector<16xi32>], vector<16xf32>,
      %add3A_813 = arith.addf %add3A_809, %gather3A_812 : vector<16xf32>
      %broadcast_in_dim3A_814 = arith.constant 8 : i32
      %broadcast_in_dim3A_815 = vector.broadcast %broadcast_in_dim3A_814 : i32 to vector<16xi32>
      %gather3A_816 = tpu.vector_load_idx %arg11[%iota3A, %broadcast_in_dim3A_815] : memref<16x16xf32, #tpu.memory_space<vmem>>[vector<16xi32>, vector<16xi32>], vector<16xf32>,
      %add3A_817 = arith.addf %add3A_813, %gather3A_816 : vector<16xf32>
      %broadcast_in_dim3A_818 = arith.constant 9 : i32
      %broadcast_in_dim3A_819 = vector.broadcast %broadcast_in_dim3A_818 : i32 to vector<16xi32>
      %gather3A_820 = tpu.vector_load_idx %arg11[%iota3A, %broadcast_in_dim3A_819] : memref<16x16xf32, #tpu.memory_space<vmem>>[vector<16xi32>, vector<16xi32>], vector<16xf32>,
      %add3A_821 = arith.addf %add3A_817, %gather3A_820 : vector<16xf32>
      %broadcast_in_dim3A_822 = arith.constant 10 : i32
      %broadcast_in_dim3A_823 = vector.broadcast %broadcast_in_dim3A_822 : i32 to vector<16xi32>
      %gather3A_824 = tpu.vector_load_idx %arg11[%iota3A, %broadcast_in_dim3A_823] : memref<16x16xf32, #tpu.memory_space<vmem>>[vector<16xi32>, vector<16xi32>], vector<16xf32>,
      %add3A_825 = arith.addf %add3A_821, %gather3A_824 : vector<16xf32>
      %broadcast_in_dim3A_826 = arith.constant 11 : i32
      %broadcast_in_dim3A_827 = vector.broadcast %broadcast_in_dim3A_826 : i32 to vector<16xi32>
      %gather3A_828 = tpu.vector_load_idx %arg11[%iota3A, %broadcast_in_dim3A_827] : memref<16x16xf32, #tpu.memory_space<vmem>>[vector<16xi32>, vector<16xi32>], vector<16xf32>,
      %add3A_829 = arith.addf %add3A_825, %gather3A_828 : vector<16xf32>
      %broadcast_in_dim3A_830 = arith.constant 12 : i32
      %broadcast_in_dim3A_831 = vector.broadcast %broadcast_in_dim3A_830 : i32 to vector<16xi32>
      %gather3A_832 = tpu.vector_load_idx %arg11[%iota3A, %broadcast_in_dim3A_831] : memref<16x16xf32, #tpu.memory_space<vmem>>[vector<16xi32>, vector<16xi32>], vector<16xf32>,
      %add3A_833 = arith.addf %add3A_829, %gather3A_832 : vector<16xf32>
      %broadcast_in_dim3A_834 = arith.constant 13 : i32
      %broadcast_in_dim3A_835 = vector.broadcast %broadcast_in_dim3A_834 : i32 to vector<16xi32>
      %gather3A_836 = tpu.vector_load_idx %arg11[%iota3A, %broadcast_in_dim3A_835] : memref<16x16xf32, #tpu.memory_space<vmem>>[vector<16xi32>, vector<16xi32>], vector<16xf32>,
      %add3A_837 = arith.addf %add3A_833, %gather3A_836 : vector<16xf32>
      %broadcast_in_dim3A_838 = arith.constant 14 : i32
      %broadcast_in_dim3A_839 = vector.broadcast %broadcast_in_dim3A_838 : i32 to vector<16xi32>
      %gather3A_840 = tpu.vector_load_idx %arg11[%iota3A, %broadcast_in_dim3A_839] : memref<16x16xf32, #tpu.memory_space<vmem>>[vector<16xi32>, vector<16xi32>], vector<16xf32>,
      %add3A_841 = arith.addf %add3A_837, %gather3A_840 : vector<16xf32>
      %broadcast_in_dim3A_842 = arith.constant 15 : i32
      %broadcast_in_dim3A_843 = vector.broadcast %broadcast_in_dim3A_842 : i32 to vector<16xi32>
      %gather3A_844 = tpu.vector_load_idx %arg11[%iota3A, %broadcast_in_dim3A_843] : memref<16x16xf32, #tpu.memory_space<vmem>>[vector<16xi32>, vector<16xi32>], vector<16xf32>,
      %add3A_845 = arith.addf %add3A_841, %gather3A_844 : vector<16xf32>
      %swap3A_846 = arith.index_cast %mul3A_191 : i32 to index
      %swap3A_847 = tpu.vector_load %arg12[%swap3A_846] {strides = array<i32>} : memref<512xf32, #tpu.memory_space<vmem>>, vector<16xf32>,
      tpu.vector_store %arg12[%swap3A_846], %add3A_845 {strides = array<i32>} : memref<512xf32, #tpu.memory_space<vmem>>, vector<16xf32>,
    }
    %scan3A_188 = arith.constant 32 : i32
    "tpu.region"() ({
      %run_scoped3A_189 = tpu.sem_alloc : memref<!tpu.dma_semaphore, #tpu.memory_space<semaphore_mem>>
      %dma_start3A_190 = tpu.memref_slice %arg6[%mul3A_2] : memref<16384xf32, #tpu.memory_space<hbm>> -> memref<512xf32, #tpu.memory_space<hbm>>
      %dma_start3A_191 = tpu.memref_slice %arg6[%mul3A_2] : memref<16384xf32, #tpu.memory_space<hbm>> -> memref<512xf32, #tpu.memory_space<hbm>>
      tpu.enqueue_dma source(%arg12 : memref<512xf32, #tpu.memory_space<vmem>>) target(%dma_start3A_191 : memref<512xf32, #tpu.memory_space<hbm>>) target_semaphore(%run_scoped3A_189 : memref<!tpu.dma_semaphore, #tpu.memory_space<semaphore_mem>>)
      %dma_wait3A_192 = tpu.memref_slice %arg6[%mul3A_2] : memref<16384xf32, #tpu.memory_space<hbm>> -> memref<512xf32, #tpu.memory_space<hbm>>
      %dma_wait3A_193 = tpu.memref_slice %arg6[%mul3A_2] : memref<16384xf32, #tpu.memory_space<hbm>> -> memref<512xf32, #tpu.memory_space<hbm>>
      tpu.wait_dma2 semaphore(%run_scoped3A_189 : memref<!tpu.dma_semaphore, #tpu.memory_space<semaphore_mem>>) src(%arg12 : memref<512xf32, #tpu.memory_space<vmem>>) dst(%dma_wait3A_193 : memref<512xf32, #tpu.memory_space<hbm>>)
      tpu.yield
    }) : () -> ()
    return
  }
}

</mosaic_0001>

<sc_bundles>
// kernel: kernel.3.cloned.1.call-start
scs
__scs_entry_jumppad:
0x0: {  	(pc) =	sbr.rel $0x88, $3  }
0x1: {  	(tag) =	ssettag $0x0;
	lr =	simm.s32 $0x1  }
0x2: {  	[smem:$0x3F9D] =	sst lr;
	_ =	strace $0xD0000000  }
0x3: {  	_ = 	snop  }
0x4: {  	_ = 	snop  }
0x5: {  	_ = 	snop  }
0x6: {  	_ = 	snop  }
0x7: {  	_ = 	snop  }
__scs_overlays_trampoline_lowered:
0x8: {  	[smem:$0x3FAC] =	sst s0  }
0x9: {  	[smem:$0x3FAD] =	sst s1  }
0xa: {  	[smem:$0x3FAE] =	sst s2  }
0xb: {  	[smem:$0x3FAF] =	sst s3  }
0xc: {  	[smem:$0x3FB0] =	sst s4  }
0xd: {  	[smem:$0x3FB1] =	sst s5  }
0xe: {  	[smem:$0x3FB2] =	sst s6  }
0xf: {  	[smem:$0x3FB3] =	sst s7  }
0x10: {  	[smem:$0x3FB4] =	sst s8  }
0x11: {  	[smem:$0x3FB5] =	sst s9;
	s0 =	simm.s32 @!p0 $0x0  }
0x12: {  	s1 =	sld [smem:$0x3F9B];
	s0 =	simm.s32 @p0 $0x1  }
0x13: {  	[smem:$0x3FB6] =	sst s0;
	s0 =	simm.s32 @!p1 $0x0  }
0x14: {  	s2 =	sld [smem:$0x3F9A];
	s0 =	simm.s32 @p1 $0x1  }
0x15: {  	[smem:$0x3FB7] =	sst s0;
	s0 =	simm.s32 @!p2 $0x0  }
0x16: {  	s3 =	sld [smem:$0x3FDB];
	s0 =	simm.s32 @p2 $0x1  }
0x17: {  	s4 =	simm.s32 $0x1BF5;
	[smem:$0x3FB9] =	sst s0  }
0x18: {  	s0 =	sld [smem:$0x3F9C];
	_ =	swait.ge [sflag:s4], $0x0  }
0x19: {  	s7 =	sld [smem:$0x3F9D]  }
0x1a: {  	s8 =	sadd.s32 $0xFFFFE003, lr  }
0x1b: {  	s9 =	sadd.s32 $0xFFFFFEF7, lr;
	s5 =	simm.s32 $0xFFFFFFFF;
	p2 =	slt.u32 s8, $0xFFFFF086  }
0x1c: {  	p1 =	slt.u32 s9, $0xF7A;
	s5 =	simm.s32 @!p2 $0x0  }
0x1d: {  	s5 =	simm.s32 @p1 $0x1;
	p0 =	seq.s32 s7, s2  }
0x1e: {  	s7 =	smul.u32 @!p0 $0xF7A, s2;
	p2 =	seq.s32 @!p0 s5, $0x0  }
0x1f: {  	s9 =	smul.u32 $0xF7A, s1;
	s8 =	simm.s32 @!p0 $0x1BF5;
	p2 =	por !p2, p0  }
0x20: {  	[sflag:s8] =	ssyncset.s32 @!p0 $0xFFFFF086;
	s6 =	sadd.s32 @!p0 s3, s7;
	s7 =	simm.s32 @!p0 $0x108  }
0x21: {  	s3 =	sadd.s32 s3, s9;
	s6 =	sadd.s32 @!p0 $0x88, s6;
	s7 =	simm.s32 @p2 $0x1082  }
0x22: {  	[simem:s7], [sflag:s8] =	dma.local @!p0 [hbm:s6], $0xF7A  }
0x23: {  	s9 =	sor.u32 $0xD0000000, s2;
	s6 =	simm.s32 $0x108;
	_ =	swait.ge @!p0 [sflag:s8], $0x0  }
0x24: {  	s3 =	sadd.s32 $0x88, s3;
	s6 =	simm.s32 @!p1 $0x1082;
	[sflag:s4] =	ssyncset.s32 $0xFFFFF086  }
0x25: {  	[simem:s6], [sflag:s4] =	dma.local [hbm:s3], $0xF7A  }
0x26: {  	[smem:$0x3F9D] =	sst s1;
	(tag) =	ssettag s2;
	_ =	strace s9  }
0x27: {  	s1 =	sld [smem:$0x3FAD]  }
0x28: {  	s2 =	sld [smem:$0x3FAE]  }
0x29: {  	s4 =	sld [smem:$0x3FB0]  }
0x2a: {  	p0 =	seq.s32 s5, $0x0;
	s5 =	sld [smem:$0x3FB1]  }
0x2b: {  	s6 =	sld [smem:$0x3FB2]  }
0x2c: {  	s7 =	sld [smem:$0x3FB3]  }
0x2d: {  	s3 =	simm.s32 $0x108;
	s8 =	sld [smem:$0x3FB4]  }
0x2e: {  	s3 =	simm.s32 @!p0 $0x1082;
	s9 =	sld [smem:$0x3FB5]  }
0x2f: {  	lr =	sadd.s32 s0, s3;
	s0 =	sld [smem:$0x3FAC]  }
0x30: {  	s3 =	sld [smem:$0x3FAF]  }
0x31: {  	[smem:$0x3FB8] =	sst s10  }
0x32: {  	s10 =	sld [smem:$0x3FB6];
	_ =	sdelay $0x3  }
0x33: {  	p0 =	seq.s32 s10, $0x1;
	s10 =	sld [smem:$0x3FB8];
	_ =	sdelay $0x3  }
0x34: {  	[smem:$0x3FB8] =	sst s10  }
0x35: {  	s10 =	sld [smem:$0x3FB7];
	_ =	sdelay $0x3  }
0x36: {  	p1 =	seq.s32 s10, $0x1;
	s10 =	sld [smem:$0x3FB8];
	_ =	sdelay $0x3  }
0x37: {  	[smem:$0x3FB8] =	sst s10  }
0x38: {  	s10 =	sld [smem:$0x3FB9]  }
0x39: {  	_ = 	snop;
	(pc) =	sbr.ind lr, $3  }
0x3a: {  	_ = 	snop  }
0x3b: {  	_ = 	snop  }
0x3c: {  	p2 =	seq.s32 s10, $0x1;
	s10 =	sld [smem:$0x3FB8]  }
0x3d: {  	_ =	shalt  }
0x3e: {  	_ =	shalt  }
0x3f: {  	_ =	shalt  }
0x40: {  	_ =	shalt  }
0x41: {  	_ =	shalt  }
0x42: {  	_ =	shalt  }
0x43: {  	_ =	shalt  }
0x44: {  	_ =	shalt  }
0x45: {  	_ =	shalt  }
0x46: {  	_ =	shalt  }
0x47: {  	_ =	shalt  }
0x48: {  	_ =	shalt  }
0x49: {  	_ =	shalt  }
0x4a: {  	_ =	shalt  }
0x4b: {  	_ =	shalt  }
0x4c: {  	_ =	shalt  }
0x4d: {  	_ =	shalt  }
0x4e: {  	_ =	shalt  }
0x4f: {  	_ =	shalt  }
0x50: {  	_ =	shalt  }
0x51: {  	_ =	shalt  }
0x52: {  	_ =	shalt  }
0x53: {  	_ =	shalt  }
0x54: {  	_ =	shalt  }
0x55: {  	_ =	shalt  }
0x56: {  	_ =	shalt  }
0x57: {  	_ =	shalt  }
0x58: {  	_ =	shalt  }
0x59: {  	_ =	shalt  }
0x5a: {  	_ =	shalt  }
0x5b: {  	_ =	shalt  }
0x5c: {  	_ =	shalt  }
0x5d: {  	_ =	shalt  }
0x5e: {  	_ =	shalt  }
0x5f: {  	_ =	shalt  }
0x60: {  	_ =	shalt  }
0x61: {  	_ =	shalt  }
0x62: {  	_ =	shalt  }
0x63: {  	_ =	shalt  }
0x64: {  	_ =	shalt  }
0x65: {  	_ =	shalt  }
0x66: {  	_ =	shalt  }
0x67: {  	_ =	shalt  }
0x68: {  	_ =	shalt  }
0x69: {  	_ =	shalt  }
0x6a: {  	_ =	shalt  }
0x6b: {  	_ =	shalt  }
0x6c: {  	_ =	shalt  }
0x6d: {  	_ =	shalt  }
0x6e: {  	_ =	shalt  }
0x6f: {  	_ =	shalt  }
0x70: {  	_ =	shalt  }
0x71: {  	_ =	shalt  }
0x72: {  	_ =	shalt  }
0x73: {  	_ =	shalt  }
0x74: {  	_ =	shalt  }
0x75: {  	_ =	shalt  }
0x76: {  	_ =	shalt  }
0x77: {  	_ =	shalt  }
0x78: {  	_ =	shalt  }
0x79: {  	_ =	shalt  }
0x7a: {  	_ =	shalt  }
0x7b: {  	_ =	shalt  }
0x7c: {  	_ =	shalt  }
0x7d: {  	_ =	shalt  }
0x7e: {  	_ =	shalt  }
0x7f: {  	_ =	shalt  }
0x80: {  	_ =	shalt  }
0x81: {  	_ =	shalt  }
0x82: {  	_ =	shalt  }
0x83: {  	_ =	shalt  }
0x84: {  	_ =	shalt  }
0x85: {  	_ =	shalt  }
0x86: {  	_ =	shalt  }
0x87: {  	_ =	shalt  }
.Lfunc_end0:
.L_simem_size_0:
called_computation_lowered:
.L_overlay_start_0:
0x88: {  	s2 =	sld [smem:$0x3FD9]  }
0x89: {  	s3 =	sld [smem:$0x3FFE];
	_ =	sdelay $0x1  }
0x8a: {  	s1 =	srdreg.scid  }
0x8b: {  	s0 =	sand.u32 $0x1, s1  }
0x8c: {  	s17 =	sshll.u32 s0, $0xA;
	s2 =	sadd.s32 s3, s2  }
0x8d: {  	s2 =	sadd.s32 s2, s17  }
0x8e: {  	[smem:$0x3FC4] =	sst s2  }
0x8f: {  	_ = 	snop  }
0x90: {  	s2 =	sld [smem:$0x3FC7]  }
0x91: {  	s18 =	sld [smem:$0x3FC6]  }
0x92: {  	s4 =	sld [smem:$0x3FD0];
	(tm) =	ssettm $0x1  }
0x93: {  	s5 =	sld [smem:$0x3FFB];
	_ =	sdelay $0x3  }
0x94: {  	_ =	strace s5  }
0x95: {  	s5 =	sld [smem:$0x3FFC];
	_ =	sdelay $0x3  }
0x96: {  	_ =	strace s5  }
0x97: {  	s5 =	sld [smem:$0x3FFD];
	_ =	sdelay $0x3  }
0x98: {  	_ =	strace s5  }
0x99: {  	_ =	strace $0x8FFFFFFF  }
0x9a: {  	s19 =	sld [smem:$0x3FDB];
	_ =	sdelay $0x1  }
0x9b: {  	s6 =	simm.s32 $_scs_section_size  }
0x9c: {  	s7 =	simm.s32 $_size__tile_overlayer_lowered;
	s8 =	simm.s32 $_tile_overlayer_lowered  }
0x9d: {  	s22 =	simm.s32 $0x1BFF;
	s21 =	sshll.u32 s8, $0x1;
	s5 =	sadd.s32 s6, s19  }
0x9e: {  	s9 =	simm.s32 $0x0;
	s20 =	sshll.u32 s7, $0x1;
	s7 =	sadd.s32 s21, s5  }
0x9f: {  	[timem:s9], [sflag:s22] =	dma.local [hbm:s7], s20  }
0xa0: {  	_ =	swait.ge [sflag:s22], s20  }
0xa1: {  	s6 =	ssub.s32 $0x0, s20;
	[sflag:s22] =	ssyncset.done $0x0  }
0xa2: {  	[sflag:s22] =	ssyncadd.s32 s6;
	_ =	sdelay $0x1  }
0xa3: {  	s23 =	simm.s32 $0x1B8B  }
0xa4: {  	_ =	swait.ge [sflag:s23], $0x1  }
0xa5: {  	[sflag:s23] =	ssyncset.done $0x0  }
0xa6: {  	s25 =	simm.s32 $0x1B8E;
	s24 =	sld [smem:$0x3FFE];
	[sflag:s23] =	ssyncadd.s32 $0xFFFFFFFF  }
0xa7: {  	s26 =	simm.s32 $execute0_lowered;
	[smem:$0x3FD2] =	sst s25  }
0xa8: {  	s7 =	sshll.u32 s26, $0x1;
	_ =	strace $0x80000046;
	[dreg:$0x1] =	wrdreg $0xFFFFFFFF  }
0xa9: {  	s28 =	simm.s32 $_size_execute0_lowered;
	s5 =	sadd.s32 s5, s7;
	[dreg:$0x0] =	wrdreg $0x0  }
0xaa: {  	s7 =	sshll.u32 s28, $0x1;
	[dreg:$0x2] =	wrdreg s5  }
0xab: {  	[dreg:$0x3] =	wrdreg s7  }
0xac: {  	[dreg:$0x4] =	wrdreg $0xC0  }
0xad: {  	_ =	task [dreg:s9], $0x5FFFF  }
0xae: {  	[dreg:$0x1] =	wrdreg $0xFFFFFFFF  }
0xaf: {  	[dreg:$0x0] =	wrdreg $0x60  }
0xb0: {  	[dreg:$0x2] =	wrdreg s24  }
0xb1: {  	[dreg:$0x3] =	wrdreg s2  }
0xb2: {  	[dreg:$0x4] =	wrdreg s18  }
0xb3: {  	[dreg:$0x5] =	wrdreg s4  }
0xb4: {  	[dreg:$0x6] =	wrdreg $0x9  }
0xb5: {  	_ =	task.clear_ibuf [dreg:s9], $0x7FFFF;
	_ =	strace $0x90000046  }
0xb6: {  	s29 =	simm.s32 $0x9;
	_ =	strace $0x80000048  }
0xb7: {  	_ =	swait.ge [sflag:s29], $0x1  }
0xb8: {  	[sflag:s29] =	ssyncadd.s32 $0xFFFFFFFF  }
0xb9: {  	_ =	strace $0x90000048  }
0xba: {  	_ =	sfence  }
0xbb: {  	s30 =	sld [smem:$0x0];
	_ =	sdelay $0x2  }
0xbc: {  	s31 =	sshll.u32 s1, $0xD;
	s1 =	sshrl.u32 s1, $0x2  }
0xbd: {  	s3 =	sand.u32 $0x4000, s31;
	s1 =	sadd.s32 s1, s30  }
0xbe: {  	s0 =	sor.u32 s3, s0;
	s1 =	sshll.u32 s1, $0x11  }
0xbf: {  	s0 =	sor.u32 s1, s0  }
0xc0: {  	s0 =	sadd.s32 $0x8F2B, s0  }
0xc1: {  	[sflag:s0] =	ssyncadd.remote.s32 $0x1  }
0xc2: {  	_ =	sfence.sel $0xFFFF  }
0xc3: {  	[dreg:$0x0] =	wrdreg $0xFFFFFFFF;
	(pc) =	sbr.abs _section_cstart, $3  }
0xc4: {  	[dreg:$0x1] =	wrdreg $0xFFFFFFFF  }
0xc5: {  	_ =	task.clear_ibuf [dreg:s9], $0x2FFFF;
	_ =	strace $0x9FFFFFFF  }
0xc6: {  	(tm) =	ssettm $0x7FFFFFFF  }
0xc7: {  	_ =	shalt  }
tec
execute0_lowered:
.L_overlay_start_1:
0x0: {  	(tag) =	ssettag $0x1  }
0x1: {  	s0 =	rddreg [dreg:$0x0]  }
0x2: {  	s1 =	rddreg [dreg:$0x1]  }
0x3: {  	s12 =	rddreg [dreg:$0x2]  }
0x4: {  	s13 =	rddreg [dreg:$0x3];
	s2 =	simm.s32 $0x0;
	s3 =	srdreg.scid  }
0x5: {  	s4 =	stileid.u32;
	s16 =	simm.s32 $0x200;
	s17 =	simm.s32 $0x80  }
0x6: {  	s18 =	simm.s32 $0x280;
	s19 =	simm.s32 $0x100;
	s20 =	simm.s32 $0x300  }
0x7: {  	s21 =	simm.s32 $0x180;
	s22 =	simm.s32 $0x380;
	s31 =	simm.s32 $0xE400  }
0x8: {  	s23 =	simm.s32 $0x10400;
	s24 =	simm.s32 $0x10500;
	s25 =	simm.s32 $0x0  }
0x9: {  	[smem:$0x7FF] =	sst s2;
	s3 =	sand.u32 $0x1, s3;
	s4 =	sshll.u32 s4, $0x7  }
0xa: {  	v0 =	vlaneseq.u32;
	_ =	strace $0x80000047;
	s5 =	ssub.s32 $0x2, s3;
	s6 =	sshll.u32 s3, $0x6  }
0xb: {  	v0 =	vmul.u32 $0x10, v0;
	s3 =	sadd.s32 $0x188A00, s0;
	s7 =	sshrl.u32 s5, $0x1;
	s14 =	sor.u32 s6, s4  }
0xc: {  	s4 =	sadd.s32 $0x24C000, s0;
	s0 =	simm.s32 $0x1;
	s30 =	ssub.s32 s5, s7  }
0xd: {  	v1 =	vor.u32 $0x1, v0;
	v2 =	vor.u32 $0x2, v0;
	v3 =	vor.u32 $0x3, v0;
	s8 =	sor.u32 $0x10, s14;
	s5 =	sadd.s32 s1, s14;
	s6 =	sadd.s32 s12, s14  }
0xe: {  	v4 =	vor.u32 $0x4, v0;
	v5 =	vor.u32 $0x5, v0;
	v6 =	vor.u32 $0x6, v0;
	s10 =	sor.u32 $0x20, s14;
	s15 =	sor.u32 $0x30, s14;
	s13 =	sadd.s32 s13, s14  }
0xf: {  	v7 =	vor.u32 $0x7, v0;
	v8 =	vor.u32 $0x8, v0;
	v9 =	vor.u32 $0x9, v0;
	s7 =	sadd.s32 s1, s8;
	s8 =	sadd.s32 s12, s8;
	s9 =	sadd.s32 s1, s10  }
0x10: {  	v10 =	vor.u32 $0xA, v0;
	v11 =	vor.u32 $0xB, v0;
	v12 =	vor.u32 $0xC, v0;
	s10 =	sadd.s32 s12, s10;
	s11 =	sadd.s32 s1, s15;
	s12 =	sadd.s32 s12, s15  }
0x11: {  	v13 =	vor.u32 $0xD, v0;
	v14 =	vor.u32 $0xE, v0;
	v15 =	vor.u32 $0xF, v0;
	s14 =	smax.u32 s30, $0x1;
	s15 =	simm.s32 $0x3;
	s1 =	simm.s32 $0x2  }
.LBB2_1:
0x12: {  	[tilespmem:s2], [sflag:$0x3] =	stream.linear.gather [hbm4b:s5+s2], $0x80, $0x38;
	[tilespmem:$0x10700] =	vst v63  }
0x13: {  	_ =	swait.ge [sflag:s15], $0x80  }
0x14: {  	[sflag:s15] =	ssyncset.done $0x0  }
0x15: {  	[sflag:s15] =	ssyncadd.s32 $0xFFFFFF80  }
0x16: {  	[tilespmem:s16], [sflag:$0x3] =	stream.linear.gather [hbm4b:s6+s2], $0x80, $0x38;
	[tilespmem:$0x10700] =	vst v63  }
0x17: {  	_ =	swait.ge [sflag:s15], $0x80  }
0x18: {  	[sflag:s15] =	ssyncset.done $0x0  }
0x19: {  	[sflag:s15] =	ssyncadd.s32 $0xFFFFFF80  }
0x1a: {  	[tilespmem:s17], [sflag:$0x3] =	stream.linear.gather [hbm4b:s7+s2], $0x80, $0x38;
	[tilespmem:$0x10700] =	vst v63  }
0x1b: {  	_ =	swait.ge [sflag:s15], $0x80  }
0x1c: {  	[sflag:s15] =	ssyncset.done $0x0  }
0x1d: {  	[sflag:s15] =	ssyncadd.s32 $0xFFFFFF80  }
0x1e: {  	[tilespmem:s18], [sflag:$0x3] =	stream.linear.gather [hbm4b:s8+s2], $0x80, $0x38;
	[tilespmem:$0x10700] =	vst v63  }
0x1f: {  	_ =	swait.ge [sflag:s15], $0x80  }
0x20: {  	[sflag:s15] =	ssyncset.done $0x0  }
0x21: {  	[sflag:s15] =	ssyncadd.s32 $0xFFFFFF80  }
0x22: {  	[tilespmem:s19], [sflag:$0x3] =	stream.linear.gather [hbm4b:s9+s2], $0x80, $0x38;
	[tilespmem:$0x10700] =	vst v63  }
0x23: {  	_ =	swait.ge [sflag:s15], $0x80  }
0x24: {  	[sflag:s15] =	ssyncset.done $0x0  }
0x25: {  	[sflag:s15] =	ssyncadd.s32 $0xFFFFFF80  }
0x26: {  	[tilespmem:s20], [sflag:$0x3] =	stream.linear.gather [hbm4b:s10+s2], $0x80, $0x38;
	[tilespmem:$0x10700] =	vst v63  }
0x27: {  	_ =	swait.ge [sflag:s15], $0x80  }
0x28: {  	[sflag:s15] =	ssyncset.done $0x0  }
0x29: {  	[sflag:s15] =	ssyncadd.s32 $0xFFFFFF80  }
0x2a: {  	[tilespmem:s21], [sflag:$0x3] =	stream.linear.gather [hbm4b:s11+s2], $0x80, $0x38;
	[tilespmem:$0x10700] =	vst v63  }
0x2b: {  	_ =	swait.ge [sflag:s15], $0x80  }
0x2c: {  	[sflag:s15] =	ssyncset.done $0x0  }
0x2d: {  	[sflag:s15] =	ssyncadd.s32 $0xFFFFFF80  }
0x2e: {  	[tilespmem:s22], [sflag:$0x3] =	stream.linear.gather [hbm4b:s12+s2], $0x80, $0x38;
	[tilespmem:$0x10700] =	vst v63  }
0x2f: {  	_ =	swait.ge [sflag:s15], $0x80  }
0x30: {  	[sflag:s15] =	ssyncset.done $0x0  }
0x31: {  	s26 =	simm.s32 $0x400;
	[sflag:s15] =	ssyncadd.s32 $0xFFFFFF80  }
0x32: {  	[tilespmem:s26], [sflag:$0x1] =	stream.indirect.gather [hbm4b:s3+s17], $0x40, s2, s17, $0xb8;
	[tilespmem:$0x10700] =	vst v63  }
0x33: {  	s26 =	simm.s32 $0x8400  }
0x34: {  	[tilespmem:s26], [sflag:$0x2] =	stream.indirect.gather [hbm4b:s4+s17], $0x40, s16, s17, $0xb8;
	[tilespmem:$0x10700] =	vst v63  }
0x35: {  	s26 =	simm.s32 $0x2400  }
0x36: {  	[tilespmem:s26], [sflag:$0x1] =	stream.indirect.gather [hbm4b:s3+s17], $0x40, s17, s17, $0xb8;
	[tilespmem:$0x10700] =	vst v63  }
0x37: {  	s26 =	simm.s32 $0xA400  }
0x38: {  	[tilespmem:s26], [sflag:$0x2] =	stream.indirect.gather [hbm4b:s4+s17], $0x40, s18, s17, $0xb8;
	[tilespmem:$0x10700] =	vst v63  }
0x39: {  	s26 =	simm.s32 $0x4400  }
0x3a: {  	[tilespmem:s26], [sflag:$0x1] =	stream.indirect.gather [hbm4b:s3+s17], $0x40, s19, s17, $0xb8;
	[tilespmem:$0x10700] =	vst v63  }
0x3b: {  	s26 =	simm.s32 $0xC400  }
0x3c: {  	[tilespmem:s26], [sflag:$0x2] =	stream.indirect.gather [hbm4b:s4+s17], $0x40, s20, s17, $0xb8;
	[tilespmem:$0x10700] =	vst v63  }
0x3d: {  	s26 =	simm.s32 $0x6400  }
0x3e: {  	[tilespmem:s26], [sflag:$0x1] =	stream.indirect.gather [hbm4b:s3+s17], $0x40, s21, s17, $0xb8;
	[tilespmem:$0x10700] =	vst v63  }
0x3f: {  	_ = 	snop  }
0x40: {  	[tilespmem:s31], [sflag:$0x2] =	stream.indirect.gather [hbm4b:s4+s17], $0x40, s22, s17, $0xb8;
	[tilespmem:$0x10700] =	vst v63  }
0x41: {  	_ =	swait.ge [sflag:s0], $0x2000  }
0x42: {  	[sflag:s0] =	ssyncset.done $0x0  }
0x43: {  	[sflag:s0] =	ssyncadd.s32 $0xFFFFE000  }
0x44: {  	_ =	swait.ge [sflag:s1], $0x2000  }
0x45: {  	[sflag:s1] =	ssyncset.done $0x0  }
0x46: {  	[sflag:s1] =	ssyncadd.s32 $0xFFFFE000  }
0x47: {  	_ =	swait.ge [sflag:s0], $0x2000  }
0x48: {  	[sflag:s0] =	ssyncset.done $0x0  }
0x49: {  	[sflag:s0] =	ssyncadd.s32 $0xFFFFE000  }
0x4a: {  	_ =	swait.ge [sflag:s1], $0x2000  }
0x4b: {  	[sflag:s1] =	ssyncset.done $0x0  }
0x4c: {  	[sflag:s1] =	ssyncadd.s32 $0xFFFFE000  }
0x4d: {  	_ =	swait.ge [sflag:s0], $0x2000  }
0x4e: {  	[sflag:s0] =	ssyncset.done $0x0  }
0x4f: {  	[sflag:s0] =	ssyncadd.s32 $0xFFFFE000  }
0x50: {  	_ =	swait.ge [sflag:s1], $0x2000  }
0x51: {  	[sflag:s1] =	ssyncset.done $0x0  }
0x52: {  	[sflag:s1] =	ssyncadd.s32 $0xFFFFE000  }
0x53: {  	_ =	swait.ge [sflag:s0], $0x2000  }
0x54: {  	[sflag:s0] =	ssyncset.done $0x0  }
0x55: {  	[sflag:s0] =	ssyncadd.s32 $0xFFFFE000  }
0x56: {  	_ =	swait.ge [sflag:s1], $0x2000  }
0x57: {  	[sflag:s1] =	ssyncset.done $0x0  }
0x58: {  	s26 =	simm.s32 $0x0;
	[sflag:s1] =	ssyncadd.s32 $0xFFFFE000  }
0x59: {  	v16 =	vld [tilespmem:s26+$0x8410]  }
0x5a: {  	v17 =	vld [tilespmem:s26+$0x400]  }
0x5b: {  	v18 =	vld [tilespmem:s26+$0x410]  }
0x5c: {  	v19 =	vld [tilespmem:s26+$0x8400]  }
0x5d: {  	v20 =	vld [tilespmem:s26+$0x8420]  }
0x5e: {  	v21 =	vld [tilespmem:s26+$0x420]  }
0x5f: {  	v22 =	vld [tilespmem:s26+$0x8430]  }
0x60: {  	v23 =	vld [tilespmem:s26+$0x430]  }
0x61: {  	v16 =	vmul.f32 v16, v18;
	v17 =	vmul.f32 v19, v17;
	_ =	sdelay $0x1  }
0x62: {  	v16 =	vadd.f32 v16, v17;
	v17 =	vmul.f32 v20, v21;
	_ =	sdelay $0x1  }
0x63: {  	v16 =	vadd.f32 v17, v16;
	v17 =	vmul.f32 v22, v23;
	_ =	sdelay $0x1  }
0x64: {  	v16 =	vadd.f32 v17, v16;
	_ =	sdelay $0x1  }
0x65: {  	[tilespmem:$0x10400] =	vst v16  }
0x66: {  	v16 =	vld [tilespmem:s26+$0x440]  }
0x67: {  	v17 =	vld [tilespmem:s26+$0x8440]  }
0x68: {  	v18 =	vld [tilespmem:s26+$0x450]  }
0x69: {  	v19 =	vld [tilespmem:s26+$0x8450]  }
0x6a: {  	v20 =	vld [tilespmem:s26+$0x8460]  }
0x6b: {  	v21 =	vld [tilespmem:s26+$0x460]  }
0x6c: {  	v22 =	vld [tilespmem:s26+$0x8470]  }
0x6d: {  	v23 =	vld [tilespmem:s26+$0x470]  }
0x6e: {  	v16 =	vmul.f32 v17, v16;
	v17 =	vmul.f32 v19, v18;
	_ =	sdelay $0x1  }
0x6f: {  	v16 =	vadd.f32 v17, v16;
	v17 =	vmul.f32 v20, v21;
	_ =	sdelay $0x1  }
0x70: {  	v16 =	vadd.f32 v17, v16;
	v17 =	vmul.f32 v22, v23;
	_ =	sdelay $0x1  }
0x71: {  	v16 =	vadd.f32 v17, v16;
	_ =	sdelay $0x1  }
0x72: {  	[tilespmem:$0x10410] =	vst v16  }
0x73: {  	v16 =	vld [tilespmem:s26+$0x8490]  }
0x74: {  	v17 =	vld [tilespmem:s26+$0x480]  }
0x75: {  	v18 =	vld [tilespmem:s26+$0x8480]  }
0x76: {  	v19 =	vld [tilespmem:s26+$0x490]  }
0x77: {  	v20 =	vld [tilespmem:s26+$0x84A0]  }
0x78: {  	v21 =	vld [tilespmem:s26+$0x4A0]  }
0x79: {  	v22 =	vld [tilespmem:s26+$0x84B0]  }
0x7a: {  	v23 =	vld [tilespmem:s26+$0x4B0]  }
0x7b: {  	v17 =	vmul.f32 v18, v17;
	v16 =	vmul.f32 v16, v19;
	_ =	sdelay $0x1  }
0x7c: {  	v16 =	vadd.f32 v16, v17;
	v17 =	vmul.f32 v20, v21;
	_ =	sdelay $0x1  }
0x7d: {  	v16 =	vadd.f32 v17, v16;
	v17 =	vmul.f32 v22, v23;
	_ =	sdelay $0x1  }
0x7e: {  	v16 =	vadd.f32 v17, v16;
	_ =	sdelay $0x1  }
0x7f: {  	[tilespmem:$0x10420] =	vst v16  }
0x80: {  	v16 =	vld [tilespmem:s26+$0x84D0]  }
0x81: {  	v17 =	vld [tilespmem:s26+$0x4C0]  }
0x82: {  	v18 =	vld [tilespmem:s26+$0x84C0]  }
0x83: {  	v19 =	vld [tilespmem:s26+$0x4D0]  }
0x84: {  	v20 =	vld [tilespmem:s26+$0x4E0]  }
0x85: {  	v21 =	vld [tilespmem:s26+$0x84E0]  }
0x86: {  	v22 =	vld [tilespmem:s26+$0x84F0]  }
0x87: {  	v23 =	vld [tilespmem:s26+$0x4F0]  }
0x88: {  	v17 =	vmul.f32 v18, v17;
	v16 =	vmul.f32 v16, v19;
	_ =	sdelay $0x1  }
0x89: {  	v16 =	vadd.f32 v16, v17;
	v17 =	vmul.f32 v21, v20;
	_ =	sdelay $0x1  }
0x8a: {  	v16 =	vadd.f32 v17, v16;
	v17 =	vmul.f32 v22, v23;
	_ =	sdelay $0x1  }
0x8b: {  	v16 =	vadd.f32 v17, v16;
	_ =	sdelay $0x1  }
0x8c: {  	[tilespmem:$0x10430] =	vst v16  }
0x8d: {  	v16 =	vld [tilespmem:s26+$0x8500]  }
0x8e: {  	v17 =	vld [tilespmem:s26+$0x8510]  }
0x8f: {  	v18 =	vld [tilespmem:s26+$0x500]  }
0x90: {  	v19 =	vld [tilespmem:s26+$0x510]  }
0x91: {  	v20 =	vld [tilespmem:s26+$0x520]  }
0x92: {  	v21 =	vld [tilespmem:s26+$0x8520]  }
0x93: {  	v22 =	vld [tilespmem:s26+$0x8530]  }
0x94: {  	v23 =	vld [tilespmem:s26+$0x530]  }
0x95: {  	v16 =	vmul.f32 v16, v18;
	v17 =	vmul.f32 v17, v19;
	_ =	sdelay $0x1  }
0x96: {  	v16 =	vadd.f32 v17, v16;
	v17 =	vmul.f32 v21, v20;
	_ =	sdelay $0x1  }
0x97: {  	v16 =	vadd.f32 v17, v16;
	v17 =	vmul.f32 v22, v23;
	_ =	sdelay $0x1  }
0x98: {  	v16 =	vadd.f32 v17, v16;
	_ =	sdelay $0x1  }
0x99: {  	[tilespmem:$0x10440] =	vst v16  }
0x9a: {  	v16 =	vld [tilespmem:s26+$0x8540]  }
0x9b: {  	v17 =	vld [tilespmem:s26+$0x8550]  }
0x9c: {  	v18 =	vld [tilespmem:s26+$0x540]  }
0x9d: {  	v19 =	vld [tilespmem:s26+$0x550]  }
0x9e: {  	v20 =	vld [tilespmem:s26+$0x560]  }
0x9f: {  	v21 =	vld [tilespmem:s26+$0x8560]  }
0xa0: {  	v22 =	vld [tilespmem:s26+$0x8570]  }
0xa1: {  	v23 =	vld [tilespmem:s26+$0x570]  }
0xa2: {  	v16 =	vmul.f32 v16, v18;
	v17 =	vmul.f32 v17, v19;
	_ =	sdelay $0x1  }
0xa3: {  	v16 =	vadd.f32 v17, v16;
	v17 =	vmul.f32 v21, v20;
	_ =	sdelay $0x1  }
0xa4: {  	v16 =	vadd.f32 v17, v16;
	v17 =	vmul.f32 v22, v23;
	_ =	sdelay $0x1  }
0xa5: {  	v16 =	vadd.f32 v17, v16;
	_ =	sdelay $0x1  }
0xa6: {  	[tilespmem:$0x10450] =	vst v16  }
0xa7: {  	v16 =	vld [tilespmem:s26+$0x8580]  }
0xa8: {  	v17 =	vld [tilespmem:s26+$0x8590]  }
0xa9: {  	v18 =	vld [tilespmem:s26+$0x590]  }
0xaa: {  	v19 =	vld [tilespmem:s26+$0x580]  }
0xab: {  	v20 =	vld [tilespmem:s26+$0x85A0]  }
0xac: {  	v21 =	vld [tilespmem:s26+$0x5A0]  }
0xad: {  	v22 =	vld [tilespmem:s26+$0x85B0]  }
0xae: {  	v23 =	vld [tilespmem:s26+$0x5B0]  }
0xaf: {  	v17 =	vmul.f32 v17, v18;
	v16 =	vmul.f32 v16, v19;
	_ =	sdelay $0x1  }
0xb0: {  	v16 =	vadd.f32 v17, v16;
	v17 =	vmul.f32 v20, v21;
	_ =	sdelay $0x1  }
0xb1: {  	v16 =	vadd.f32 v17, v16;
	v17 =	vmul.f32 v22, v23;
	_ =	sdelay $0x1  }
0xb2: {  	v16 =	vadd.f32 v17, v16;
	_ =	sdelay $0x1  }
0xb3: {  	[tilespmem:$0x10460] =	vst v16  }
0xb4: {  	v16 =	vld [tilespmem:s26+$0x5C0]  }
0xb5: {  	v17 =	vld [tilespmem:s26+$0x85C0]  }
0xb6: {  	v18 =	vld [tilespmem:s26+$0x85D0]  }
0xb7: {  	v19 =	vld [tilespmem:s26+$0x5D0]  }
0xb8: {  	v20 =	vld [tilespmem:s26+$0x85E0]  }
0xb9: {  	v21 =	vld [tilespmem:s26+$0x5E0]  }
0xba: {  	v22 =	vld [tilespmem:s26+$0x85F0]  }
0xbb: {  	v23 =	vld [tilespmem:s26+$0x5F0]  }
0xbc: {  	v16 =	vmul.f32 v17, v16;
	v17 =	vmul.f32 v18, v19;
	_ =	sdelay $0x1  }
0xbd: {  	v16 =	vadd.f32 v17, v16;
	v17 =	vmul.f32 v20, v21;
	_ =	sdelay $0x1  }
0xbe: {  	v16 =	vadd.f32 v17, v16;
	v17 =	vmul.f32 v22, v23;
	_ =	sdelay $0x1  }
0xbf: {  	v16 =	vadd.f32 v17, v16;
	_ =	sdelay $0x1  }
0xc0: {  	[tilespmem:$0x10470] =	vst v16  }
0xc1: {  	v16 =	vld [tilespmem:s26+$0x8600]  }
0xc2: {  	v17 =	vld [tilespmem:s26+$0x8610]  }
0xc3: {  	v18 =	vld [tilespmem:s26+$0x600]  }
0xc4: {  	v19 =	vld [tilespmem:s26+$0x610]  }
0xc5: {  	v20 =	vld [tilespmem:s26+$0x8620]  }
0xc6: {  	v21 =	vld [tilespmem:s26+$0x620]  }
0xc7: {  	v22 =	vld [tilespmem:s26+$0x8630]  }
0xc8: {  	v23 =	vld [tilespmem:s26+$0x630]  }
0xc9: {  	v16 =	vmul.f32 v16, v18;
	v17 =	vmul.f32 v17, v19;
	_ =	sdelay $0x1  }
0xca: {  	v16 =	vadd.f32 v17, v16;
	v17 =	vmul.f32 v20, v21;
	_ =	sdelay $0x1  }
0xcb: {  	v16 =	vadd.f32 v17, v16;
	v17 =	vmul.f32 v22, v23;
	_ =	sdelay $0x1  }
0xcc: {  	v16 =	vadd.f32 v17, v16;
	_ =	sdelay $0x1  }
0xcd: {  	[tilespmem:$0x10480] =	vst v16  }
0xce: {  	v16 =	vld [tilespmem:s26+$0x8640]  }
0xcf: {  	v17 =	vld [tilespmem:s26+$0x8650]  }
0xd0: {  	v18 =	vld [tilespmem:s26+$0x650]  }
0xd1: {  	v19 =	vld [tilespmem:s26+$0x640]  }
0xd2: {  	v20 =	vld [tilespmem:s26+$0x660]  }
0xd3: {  	v21 =	vld [tilespmem:s26+$0x8660]  }
0xd4: {  	v22 =	vld [tilespmem:s26+$0x670]  }
0xd5: {  	v23 =	vld [tilespmem:s26+$0x8670]  }
0xd6: {  	v17 =	vmul.f32 v17, v18;
	v16 =	vmul.f32 v16, v19;
	_ =	sdelay $0x1  }
0xd7: {  	v16 =	vadd.f32 v17, v16;
	v17 =	vmul.f32 v21, v20;
	_ =	sdelay $0x1  }
0xd8: {  	v16 =	vadd.f32 v17, v16;
	v17 =	vmul.f32 v23, v22;
	_ =	sdelay $0x1  }
0xd9: {  	v16 =	vadd.f32 v17, v16;
	_ =	sdelay $0x1  }
0xda: {  	[tilespmem:$0x10490] =	vst v16  }
0xdb: {  	v16 =	vld [tilespmem:s26+$0x8690]  }
0xdc: {  	v17 =	vld [tilespmem:s26+$0x8680]  }
0xdd: {  	v18 =	vld [tilespmem:s26+$0x680]  }
0xde: {  	v19 =	vld [tilespmem:s26+$0x690]  }
0xdf: {  	v20 =	vld [tilespmem:s26+$0x6A0]  }
0xe0: {  	v21 =	vld [tilespmem:s26+$0x86A0]  }
0xe1: {  	v22 =	vld [tilespmem:s26+$0x6B0]  }
0xe2: {  	v23 =	vld [tilespmem:s26+$0x86B0]  }
0xe3: {  	v17 =	vmul.f32 v17, v18;
	v16 =	vmul.f32 v16, v19;
	_ =	sdelay $0x1  }
0xe4: {  	v16 =	vadd.f32 v16, v17;
	v17 =	vmul.f32 v21, v20;
	_ =	sdelay $0x1  }
0xe5: {  	v16 =	vadd.f32 v17, v16;
	v17 =	vmul.f32 v23, v22;
	_ =	sdelay $0x1  }
0xe6: {  	v16 =	vadd.f32 v17, v16;
	_ =	sdelay $0x1  }
0xe7: {  	[tilespmem:$0x104A0] =	vst v16  }
0xe8: {  	v16 =	vld [tilespmem:s26+$0x86C0]  }
0xe9: {  	v17 =	vld [tilespmem:s26+$0x86D0]  }
0xea: {  	v18 =	vld [tilespmem:s26+$0x6C0]  }
0xeb: {  	v19 =	vld [tilespmem:s26+$0x6D0]  }
0xec: {  	v20 =	vld [tilespmem:s26+$0x6E0]  }
0xed: {  	v21 =	vld [tilespmem:s26+$0x86E0]  }
0xee: {  	v22 =	vld [tilespmem:s26+$0x6F0]  }
0xef: {  	v23 =	vld [tilespmem:s26+$0x86F0]  }
0xf0: {  	v16 =	vmul.f32 v16, v18;
	v17 =	vmul.f32 v17, v19;
	_ =	sdelay $0x1  }
0xf1: {  	v16 =	vadd.f32 v17, v16;
	v17 =	vmul.f32 v21, v20;
	_ =	sdelay $0x1  }
0xf2: {  	v16 =	vadd.f32 v17, v16;
	v17 =	vmul.f32 v23, v22;
	_ =	sdelay $0x1  }
0xf3: {  	v16 =	vadd.f32 v17, v16;
	_ =	sdelay $0x1  }
0xf4: {  	[tilespmem:$0x104B0] =	vst v16  }
0xf5: {  	v16 =	vld [tilespmem:s26+$0x8700]  }
0xf6: {  	v17 =	vld [tilespmem:s26+$0x8710]  }
0xf7: {  	v18 =	vld [tilespmem:s26+$0x700]  }
0xf8: {  	v19 =	vld [tilespmem:s26+$0x710]  }
0xf9: {  	v20 =	vld [tilespmem:s26+$0x720]  }
0xfa: {  	v21 =	vld [tilespmem:s26+$0x8720]  }
0xfb: {  	v22 =	vld [tilespmem:s26+$0x730]  }
0xfc: {  	v23 =	vld [tilespmem:s26+$0x8730]  }
0xfd: {  	v16 =	vmul.f32 v16, v18;
	v17 =	vmul.f32 v17, v19;
	_ =	sdelay $0x1  }
0xfe: {  	v16 =	vadd.f32 v17, v16;
	v17 =	vmul.f32 v21, v20;
	_ =	sdelay $0x1  }
0xff: {  	v16 =	vadd.f32 v17, v16;
	v17 =	vmul.f32 v23, v22;
	_ =	sdelay $0x1  }
0x100: {  	v16 =	vadd.f32 v17, v16;
	_ =	sdelay $0x1  }
0x101: {  	[tilespmem:$0x104C0] =	vst v16  }
0x102: {  	v16 =	vld [tilespmem:s26+$0x8740]  }
0x103: {  	v17 =	vld [tilespmem:s26+$0x8750]  }
0x104: {  	v18 =	vld [tilespmem:s26+$0x740]  }
0x105: {  	v19 =	vld [tilespmem:s26+$0x750]  }
0x106: {  	v20 =	vld [tilespmem:s26+$0x760]  }
0x107: {  	v21 =	vld [tilespmem:s26+$0x8760]  }
0x108: {  	v22 =	vld [tilespmem:s26+$0x770]  }
0x109: {  	v23 =	vld [tilespmem:s26+$0x8770]  }
0x10a: {  	v16 =	vmul.f32 v16, v18;
	v17 =	vmul.f32 v17, v19;
	_ =	sdelay $0x1  }
0x10b: {  	v16 =	vadd.f32 v17, v16;
	v17 =	vmul.f32 v21, v20;
	_ =	sdelay $0x1  }
0x10c: {  	v16 =	vadd.f32 v17, v16;
	v17 =	vmul.f32 v23, v22;
	_ =	sdelay $0x1  }
0x10d: {  	v16 =	vadd.f32 v17, v16;
	_ =	sdelay $0x1  }
0x10e: {  	[tilespmem:$0x104D0] =	vst v16  }
0x10f: {  	v16 =	vld [tilespmem:s26+$0x8780]  }
0x110: {  	v17 =	vld [tilespmem:s26+$0x8790]  }
0x111: {  	v18 =	vld [tilespmem:s26+$0x790]  }
0x112: {  	v19 =	vld [tilespmem:s26+$0x780]  }
0x113: {  	v20 =	vld [tilespmem:s26+$0x7A0]  }
0x114: {  	v21 =	vld [tilespmem:s26+$0x87A0]  }
0x115: {  	v22 =	vld [tilespmem:s26+$0x7B0]  }
0x116: {  	v23 =	vld [tilespmem:s26+$0x87B0]  }
0x117: {  	v17 =	vmul.f32 v17, v18;
	v16 =	vmul.f32 v16, v19;
	_ =	sdelay $0x1  }
0x118: {  	v16 =	vadd.f32 v17, v16;
	v17 =	vmul.f32 v21, v20;
	_ =	sdelay $0x1  }
0x119: {  	v16 =	vadd.f32 v17, v16;
	v17 =	vmul.f32 v23, v22;
	_ =	sdelay $0x1  }
0x11a: {  	v16 =	vadd.f32 v17, v16;
	_ =	sdelay $0x1  }
0x11b: {  	[tilespmem:$0x104E0] =	vst v16  }
0x11c: {  	v16 =	vld [tilespmem:s26+$0x7E0]  }
0x11d: {  	v17 =	vld [tilespmem:s26+$0x7C0]  }
0x11e: {  	v18 =	vld [tilespmem:s26+$0x87E0]  }
0x11f: {  	v19 =	vld [tilespmem:s26+$0x87D0]  }
0x120: {  	v22 =	vld [tilespmem:s26+$0x87C0]  }
0x121: {  	v21 =	vld [tilespmem:s26+$0x7D0]  }
0x122: {  	s29 =	simm.s32 $0x1000;
	s30 =	simm.s32 $0x10500;
	s28 =	simm.s32 $0x10500;
	v20 =	vld [tilespmem:s26+$0x7F0]  }
.LBB2_2:
0x123: {  	p0 =	sne.s32 s29, $0x1F000  }
0x124: {  	v23 =	vld [tilespmem:s26+$0x87F0];
	s30 =	sadd.s32 $0x10, s30;
	s26 =	smov.u32 s29;
	s29 =	sadd.s32 $0x1000, s29  }
0x125: {  	_ = 	snop  }
0x126: {  	v16 =	vmul.f32 v18, v16;
	v17 =	vmul.f32 v22, v17  }
0x127: {  	v18 =	vmul.f32 v19, v21;
	_ =	sdelay $0x1  }
0x128: {  	v17 =	vadd.f32 v18, v17;
	v18 =	vmul.f32 v23, v20;
	_ =	sdelay $0x1  }
0x129: {  	v16 =	vadd.f32 v16, v17;
	_ =	sdelay $0x1  }
0x12a: {  	v16 =	vadd.f32 v18, v16;
	_ =	sdelay $0x1  }
0x12b: {  	[tilespmem:$0x104F0] =	vst v16  }
0x12c: {  	v16 =	vld.idx.msk [tilespmem:v0+s23+$0x0], $0xffff  }
0x12d: {  	v17 =	vld.idx.msk [tilespmem:v1+s23+$0x0], $0xffff  }
0x12e: {  	v18 =	vld.idx.msk [tilespmem:v2+s23+$0x0], $0xffff  }
0x12f: {  	v19 =	vld.idx.msk [tilespmem:v3+s23+$0x0], $0xffff  }
0x130: {  	v20 =	vld.idx.msk [tilespmem:v4+s23+$0x0], $0xffff  }
0x131: {  	v21 =	vld.idx.msk [tilespmem:v5+s23+$0x0], $0xffff  }
0x132: {  	v16 =	vadd.f32 $0.0e+00, v16;
	v22 =	vld.idx.msk [tilespmem:v6+s23+$0x0], $0xffff  }
0x133: {  	v23 =	vld.idx.msk [tilespmem:v7+s23+$0x0], $0xffff  }
0x134: {  	v16 =	vadd.f32 v17, v16;
	v17 =	vld.idx.msk [tilespmem:v8+s23+$0x0], $0xffff  }
0x135: {  	v24 =	vld.idx.msk [tilespmem:v9+s23+$0x0], $0xffff  }
0x136: {  	v16 =	vadd.f32 v18, v16;
	v18 =	vld.idx.msk [tilespmem:v10+s23+$0x0], $0xffff  }
0x137: {  	v25 =	vld.idx.msk [tilespmem:v11+s23+$0x0], $0xffff  }
0x138: {  	v16 =	vadd.f32 v19, v16;
	v19 =	vld.idx.msk [tilespmem:v12+s23+$0x0], $0xffff  }
0x139: {  	v26 =	vld.idx.msk [tilespmem:v13+s23+$0x0], $0xffff  }
0x13a: {  	v16 =	vadd.f32 v20, v16;
	v20 =	vld.idx.msk [tilespmem:v14+s23+$0x0], $0xffff  }
0x13b: {  	v27 =	vld.idx.msk [tilespmem:v15+s23+$0x0], $0xffff  }
0x13c: {  	v16 =	vadd.f32 v21, v16;
	_ =	sdelay $0x1  }
0x13d: {  	v16 =	vadd.f32 v22, v16;
	_ =	sdelay $0x1  }
0x13e: {  	v16 =	vadd.f32 v23, v16;
	_ =	sdelay $0x1  }
0x13f: {  	v16 =	vadd.f32 v17, v16;
	_ =	sdelay $0x1  }
0x140: {  	v16 =	vadd.f32 v24, v16;
	_ =	sdelay $0x1  }
0x141: {  	v16 =	vadd.f32 v18, v16;
	_ =	sdelay $0x1  }
0x142: {  	v16 =	vadd.f32 v25, v16;
	_ =	sdelay $0x1  }
0x143: {  	v16 =	vadd.f32 v19, v16;
	_ =	sdelay $0x1  }
0x144: {  	v16 =	vadd.f32 v26, v16;
	_ =	sdelay $0x1  }
0x145: {  	v16 =	vadd.f32 v20, v16;
	_ =	sdelay $0x1  }
0x146: {  	v16 =	vadd.f32 v27, v16;
	_ =	sdelay $0x1  }
0x147: {  	s26 =	sshra.s32 s26, $0x2;
	[tilespmem:s28+$0x0] =	vst v16;
	s28 =	smov.u32 s30  }
0x148: {  	v16 =	vld [tilespmem:s26+$0x8410]  }
0x149: {  	v17 =	vld [tilespmem:s26+$0x400]  }
0x14a: {  	v18 =	vld [tilespmem:s26+$0x410]  }
0x14b: {  	v19 =	vld [tilespmem:s26+$0x8400]  }
0x14c: {  	v20 =	vld [tilespmem:s26+$0x8420]  }
0x14d: {  	v21 =	vld [tilespmem:s26+$0x420]  }
0x14e: {  	v22 =	vld [tilespmem:s26+$0x8430]  }
0x14f: {  	v16 =	vmul.f32 v16, v18;
	v18 =	vld [tilespmem:s26+$0x430]  }
0x150: {  	v17 =	vmul.f32 v19, v17;
	_ =	sdelay $0x1  }
0x151: {  	v16 =	vadd.f32 v16, v17;
	v17 =	vmul.f32 v20, v21;
	_ =	sdelay $0x1  }
0x152: {  	v16 =	vadd.f32 v17, v16;
	v17 =	vmul.f32 v22, v18;
	_ =	sdelay $0x1  }
0x153: {  	v16 =	vadd.f32 v17, v16;
	_ =	sdelay $0x1  }
0x154: {  	[tilespmem:$0x10400] =	vst v16  }
0x155: {  	v16 =	vld [tilespmem:s26+$0x440]  }
0x156: {  	v17 =	vld [tilespmem:s26+$0x8440]  }
0x157: {  	v18 =	vld [tilespmem:s26+$0x450]  }
0x158: {  	v19 =	vld [tilespmem:s26+$0x8450]  }
0x159: {  	v20 =	vld [tilespmem:s26+$0x8460]  }
0x15a: {  	v21 =	vld [tilespmem:s26+$0x460]  }
0x15b: {  	v16 =	vmul.f32 v17, v16;
	v17 =	vld [tilespmem:s26+$0x8470]  }
0x15c: {  	v22 =	vld [tilespmem:s26+$0x470]  }
0x15d: {  	v18 =	vmul.f32 v19, v18;
	_ =	sdelay $0x1  }
0x15e: {  	v16 =	vadd.f32 v18, v16;
	v18 =	vmul.f32 v20, v21;
	_ =	sdelay $0x1  }
0x15f: {  	v16 =	vadd.f32 v18, v16;
	v17 =	vmul.f32 v17, v22;
	_ =	sdelay $0x1  }
0x160: {  	v16 =	vadd.f32 v17, v16;
	_ =	sdelay $0x1  }
0x161: {  	[tilespmem:$0x10410] =	vst v16  }
0x162: {  	v16 =	vld [tilespmem:s26+$0x8490]  }
0x163: {  	v17 =	vld [tilespmem:s26+$0x480]  }
0x164: {  	v18 =	vld [tilespmem:s26+$0x8480]  }
0x165: {  	v19 =	vld [tilespmem:s26+$0x490]  }
0x166: {  	v20 =	vld [tilespmem:s26+$0x84A0]  }
0x167: {  	v21 =	vld [tilespmem:s26+$0x4A0]  }
0x168: {  	v22 =	vld [tilespmem:s26+$0x84B0]  }
0x169: {  	v17 =	vmul.f32 v18, v17;
	v18 =	vld [tilespmem:s26+$0x4B0]  }
0x16a: {  	v16 =	vmul.f32 v16, v19;
	_ =	sdelay $0x1  }
0x16b: {  	v16 =	vadd.f32 v16, v17;
	v17 =	vmul.f32 v20, v21;
	_ =	sdelay $0x1  }
0x16c: {  	v16 =	vadd.f32 v17, v16;
	v17 =	vmul.f32 v22, v18;
	_ =	sdelay $0x1  }
0x16d: {  	v16 =	vadd.f32 v17, v16;
	_ =	sdelay $0x1  }
0x16e: {  	[tilespmem:$0x10420] =	vst v16  }
0x16f: {  	v16 =	vld [tilespmem:s26+$0x84D0]  }
0x170: {  	v17 =	vld [tilespmem:s26+$0x4C0]  }
0x171: {  	v18 =	vld [tilespmem:s26+$0x84C0]  }
0x172: {  	v19 =	vld [tilespmem:s26+$0x4D0]  }
0x173: {  	v20 =	vld [tilespmem:s26+$0x4E0]  }
0x174: {  	v21 =	vld [tilespmem:s26+$0x84E0]  }
0x175: {  	v22 =	vld [tilespmem:s26+$0x84F0]  }
0x176: {  	v17 =	vmul.f32 v18, v17;
	v18 =	vld [tilespmem:s26+$0x4F0]  }
0x177: {  	v16 =	vmul.f32 v16, v19;
	_ =	sdelay $0x1  }
0x178: {  	v16 =	vadd.f32 v16, v17;
	v17 =	vmul.f32 v21, v20;
	_ =	sdelay $0x1  }
0x179: {  	v16 =	vadd.f32 v17, v16;
	v17 =	vmul.f32 v22, v18;
	_ =	sdelay $0x1  }
0x17a: {  	v16 =	vadd.f32 v17, v16;
	_ =	sdelay $0x1  }
0x17b: {  	[tilespmem:$0x10430] =	vst v16  }
0x17c: {  	v16 =	vld [tilespmem:s26+$0x8500]  }
0x17d: {  	v17 =	vld [tilespmem:s26+$0x8510]  }
0x17e: {  	v18 =	vld [tilespmem:s26+$0x500]  }
0x17f: {  	v19 =	vld [tilespmem:s26+$0x510]  }
0x180: {  	v20 =	vld [tilespmem:s26+$0x520]  }
0x181: {  	v21 =	vld [tilespmem:s26+$0x8520]  }
0x182: {  	v22 =	vld [tilespmem:s26+$0x8530]  }
0x183: {  	v16 =	vmul.f32 v16, v18;
	v18 =	vld [tilespmem:s26+$0x530]  }
0x184: {  	v17 =	vmul.f32 v17, v19;
	_ =	sdelay $0x1  }
0x185: {  	v16 =	vadd.f32 v17, v16;
	v17 =	vmul.f32 v21, v20;
	_ =	sdelay $0x1  }
0x186: {  	v16 =	vadd.f32 v17, v16;
	v17 =	vmul.f32 v22, v18;
	_ =	sdelay $0x1  }
0x187: {  	v16 =	vadd.f32 v17, v16;
	_ =	sdelay $0x1  }
0x188: {  	[tilespmem:$0x10440] =	vst v16  }
0x189: {  	v16 =	vld [tilespmem:s26+$0x8540]  }
0x18a: {  	v17 =	vld [tilespmem:s26+$0x8550]  }
0x18b: {  	v18 =	vld [tilespmem:s26+$0x540]  }
0x18c: {  	v19 =	vld [tilespmem:s26+$0x550]  }
0x18d: {  	v20 =	vld [tilespmem:s26+$0x560]  }
0x18e: {  	v21 =	vld [tilespmem:s26+$0x8560]  }
0x18f: {  	v22 =	vld [tilespmem:s26+$0x8570]  }
0x190: {  	v16 =	vmul.f32 v16, v18;
	v18 =	vld [tilespmem:s26+$0x570]  }
0x191: {  	v17 =	vmul.f32 v17, v19;
	_ =	sdelay $0x1  }
0x192: {  	v16 =	vadd.f32 v17, v16;
	v17 =	vmul.f32 v21, v20;
	_ =	sdelay $0x1  }
0x193: {  	v16 =	vadd.f32 v17, v16;
	v17 =	vmul.f32 v22, v18;
	_ =	sdelay $0x1  }
0x194: {  	v16 =	vadd.f32 v17, v16;
	_ =	sdelay $0x1  }
0x195: {  	[tilespmem:$0x10450] =	vst v16  }
0x196: {  	v16 =	vld [tilespmem:s26+$0x8580]  }
0x197: {  	v17 =	vld [tilespmem:s26+$0x8590]  }
0x198: {  	v18 =	vld [tilespmem:s26+$0x590]  }
0x199: {  	v19 =	vld [tilespmem:s26+$0x580]  }
0x19a: {  	v20 =	vld [tilespmem:s26+$0x85A0]  }
0x19b: {  	v21 =	vld [tilespmem:s26+$0x5A0]  }
0x19c: {  	v22 =	vld [tilespmem:s26+$0x85B0]  }
0x19d: {  	v17 =	vmul.f32 v17, v18;
	v18 =	vld [tilespmem:s26+$0x5B0]  }
0x19e: {  	v16 =	vmul.f32 v16, v19;
	_ =	sdelay $0x1  }
0x19f: {  	v16 =	vadd.f32 v17, v16;
	v17 =	vmul.f32 v20, v21;
	_ =	sdelay $0x1  }
0x1a0: {  	v16 =	vadd.f32 v17, v16;
	v17 =	vmul.f32 v22, v18;
	_ =	sdelay $0x1  }
0x1a1: {  	v16 =	vadd.f32 v17, v16;
	_ =	sdelay $0x1  }
0x1a2: {  	[tilespmem:$0x10460] =	vst v16  }
0x1a3: {  	v16 =	vld [tilespmem:s26+$0x5C0]  }
0x1a4: {  	v17 =	vld [tilespmem:s26+$0x85C0]  }
0x1a5: {  	v18 =	vld [tilespmem:s26+$0x85D0]  }
0x1a6: {  	v19 =	vld [tilespmem:s26+$0x5D0]  }
0x1a7: {  	v20 =	vld [tilespmem:s26+$0x85E0]  }
0x1a8: {  	v21 =	vld [tilespmem:s26+$0x5E0]  }
0x1a9: {  	v16 =	vmul.f32 v17, v16;
	v17 =	vld [tilespmem:s26+$0x85F0]  }
0x1aa: {  	v22 =	vld [tilespmem:s26+$0x5F0]  }
0x1ab: {  	v18 =	vmul.f32 v18, v19;
	_ =	sdelay $0x1  }
0x1ac: {  	v16 =	vadd.f32 v18, v16;
	v18 =	vmul.f32 v20, v21;
	_ =	sdelay $0x1  }
0x1ad: {  	v16 =	vadd.f32 v18, v16;
	v17 =	vmul.f32 v17, v22;
	_ =	sdelay $0x1  }
0x1ae: {  	v16 =	vadd.f32 v17, v16;
	_ =	sdelay $0x1  }
0x1af: {  	[tilespmem:$0x10470] =	vst v16  }
0x1b0: {  	v16 =	vld [tilespmem:s26+$0x8600]  }
0x1b1: {  	v17 =	vld [tilespmem:s26+$0x8610]  }
0x1b2: {  	v18 =	vld [tilespmem:s26+$0x600]  }
0x1b3: {  	v19 =	vld [tilespmem:s26+$0x610]  }
0x1b4: {  	v20 =	vld [tilespmem:s26+$0x8620]  }
0x1b5: {  	v21 =	vld [tilespmem:s26+$0x620]  }
0x1b6: {  	v22 =	vld [tilespmem:s26+$0x8630]  }
0x1b7: {  	v16 =	vmul.f32 v16, v18;
	v18 =	vld [tilespmem:s26+$0x630]  }
0x1b8: {  	v17 =	vmul.f32 v17, v19;
	_ =	sdelay $0x1  }
0x1b9: {  	v16 =	vadd.f32 v17, v16;
	v17 =	vmul.f32 v20, v21;
	_ =	sdelay $0x1  }
0x1ba: {  	v16 =	vadd.f32 v17, v16;
	v17 =	vmul.f32 v22, v18;
	_ =	sdelay $0x1  }
0x1bb: {  	v16 =	vadd.f32 v17, v16;
	_ =	sdelay $0x1  }
0x1bc: {  	[tilespmem:$0x10480] =	vst v16  }
0x1bd: {  	v16 =	vld [tilespmem:s26+$0x8640]  }
0x1be: {  	v17 =	vld [tilespmem:s26+$0x8650]  }
0x1bf: {  	v18 =	vld [tilespmem:s26+$0x650]  }
0x1c0: {  	v19 =	vld [tilespmem:s26+$0x640]  }
0x1c1: {  	v20 =	vld [tilespmem:s26+$0x660]  }
0x1c2: {  	v21 =	vld [tilespmem:s26+$0x8660]  }
0x1c3: {  	v22 =	vld [tilespmem:s26+$0x670]  }
0x1c4: {  	v17 =	vmul.f32 v17, v18;
	v18 =	vld [tilespmem:s26+$0x8670]  }
0x1c5: {  	v16 =	vmul.f32 v16, v19;
	_ =	sdelay $0x1  }
0x1c6: {  	v16 =	vadd.f32 v17, v16;
	v17 =	vmul.f32 v21, v20;
	_ =	sdelay $0x1  }
0x1c7: {  	v16 =	vadd.f32 v17, v16;
	v17 =	vmul.f32 v18, v22;
	_ =	sdelay $0x1  }
0x1c8: {  	v16 =	vadd.f32 v17, v16;
	_ =	sdelay $0x1  }
0x1c9: {  	[tilespmem:$0x10490] =	vst v16  }
0x1ca: {  	v16 =	vld [tilespmem:s26+$0x8690]  }
0x1cb: {  	v17 =	vld [tilespmem:s26+$0x8680]  }
0x1cc: {  	v18 =	vld [tilespmem:s26+$0x680]  }
0x1cd: {  	v19 =	vld [tilespmem:s26+$0x690]  }
0x1ce: {  	v20 =	vld [tilespmem:s26+$0x6A0]  }
0x1cf: {  	v21 =	vld [tilespmem:s26+$0x86A0]  }
0x1d0: {  	v22 =	vld [tilespmem:s26+$0x6B0]  }
0x1d1: {  	v17 =	vmul.f32 v17, v18;
	v18 =	vld [tilespmem:s26+$0x86B0]  }
0x1d2: {  	v16 =	vmul.f32 v16, v19;
	_ =	sdelay $0x1  }
0x1d3: {  	v16 =	vadd.f32 v16, v17;
	v17 =	vmul.f32 v21, v20;
	_ =	sdelay $0x1  }
0x1d4: {  	v16 =	vadd.f32 v17, v16;
	v17 =	vmul.f32 v18, v22;
	_ =	sdelay $0x1  }
0x1d5: {  	v16 =	vadd.f32 v17, v16;
	_ =	sdelay $0x1  }
0x1d6: {  	[tilespmem:$0x104A0] =	vst v16  }
0x1d7: {  	v16 =	vld [tilespmem:s26+$0x86C0]  }
0x1d8: {  	v17 =	vld [tilespmem:s26+$0x86D0]  }
0x1d9: {  	v18 =	vld [tilespmem:s26+$0x6C0]  }
0x1da: {  	v19 =	vld [tilespmem:s26+$0x6D0]  }
0x1db: {  	v20 =	vld [tilespmem:s26+$0x6E0]  }
0x1dc: {  	v21 =	vld [tilespmem:s26+$0x86E0]  }
0x1dd: {  	v22 =	vld [tilespmem:s26+$0x6F0]  }
0x1de: {  	v16 =	vmul.f32 v16, v18;
	v18 =	vld [tilespmem:s26+$0x86F0]  }
0x1df: {  	v17 =	vmul.f32 v17, v19;
	_ =	sdelay $0x1  }
0x1e0: {  	v16 =	vadd.f32 v17, v16;
	v17 =	vmul.f32 v21, v20;
	_ =	sdelay $0x1  }
0x1e1: {  	v16 =	vadd.f32 v17, v16;
	v17 =	vmul.f32 v18, v22;
	_ =	sdelay $0x1  }
0x1e2: {  	v16 =	vadd.f32 v17, v16;
	_ =	sdelay $0x1  }
0x1e3: {  	[tilespmem:$0x104B0] =	vst v16  }
0x1e4: {  	v16 =	vld [tilespmem:s26+$0x8700]  }
0x1e5: {  	v17 =	vld [tilespmem:s26+$0x8710]  }
0x1e6: {  	v18 =	vld [tilespmem:s26+$0x700]  }
0x1e7: {  	v19 =	vld [tilespmem:s26+$0x710]  }
0x1e8: {  	v20 =	vld [tilespmem:s26+$0x720]  }
0x1e9: {  	v21 =	vld [tilespmem:s26+$0x8720]  }
0x1ea: {  	v22 =	vld [tilespmem:s26+$0x730]  }
0x1eb: {  	v16 =	vmul.f32 v16, v18;
	v18 =	vld [tilespmem:s26+$0x8730]  }
0x1ec: {  	v17 =	vmul.f32 v17, v19;
	_ =	sdelay $0x1  }
0x1ed: {  	v16 =	vadd.f32 v17, v16;
	v17 =	vmul.f32 v21, v20;
	_ =	sdelay $0x1  }
0x1ee: {  	v16 =	vadd.f32 v17, v16;
	v17 =	vmul.f32 v18, v22;
	_ =	sdelay $0x1  }
0x1ef: {  	v16 =	vadd.f32 v17, v16;
	_ =	sdelay $0x1  }
0x1f0: {  	[tilespmem:$0x104C0] =	vst v16  }
0x1f1: {  	v16 =	vld [tilespmem:s26+$0x8740]  }
0x1f2: {  	v17 =	vld [tilespmem:s26+$0x8750]  }
0x1f3: {  	v18 =	vld [tilespmem:s26+$0x740]  }
0x1f4: {  	v19 =	vld [tilespmem:s26+$0x750]  }
0x1f5: {  	v20 =	vld [tilespmem:s26+$0x760]  }
0x1f6: {  	v21 =	vld [tilespmem:s26+$0x8760]  }
0x1f7: {  	v22 =	vld [tilespmem:s26+$0x770]  }
0x1f8: {  	v16 =	vmul.f32 v16, v18;
	v18 =	vld [tilespmem:s26+$0x8770]  }
0x1f9: {  	v17 =	vmul.f32 v17, v19;
	_ =	sdelay $0x1  }
0x1fa: {  	v16 =	vadd.f32 v17, v16;
	v17 =	vmul.f32 v21, v20;
	_ =	sdelay $0x1  }
0x1fb: {  	v16 =	vadd.f32 v17, v16;
	v17 =	vmul.f32 v18, v22;
	_ =	sdelay $0x1  }
0x1fc: {  	v16 =	vadd.f32 v17, v16;
	_ =	sdelay $0x1  }
0x1fd: {  	[tilespmem:$0x104D0] =	vst v16  }
0x1fe: {  	v16 =	vld [tilespmem:s26+$0x8780]  }
0x1ff: {  	v17 =	vld [tilespmem:s26+$0x8790]  }
0x200: {  	v18 =	vld [tilespmem:s26+$0x790]  }
0x201: {  	v19 =	vld [tilespmem:s26+$0x780]  }
0x202: {  	v20 =	vld [tilespmem:s26+$0x7A0]  }
0x203: {  	v21 =	vld [tilespmem:s26+$0x87A0]  }
0x204: {  	v22 =	vld [tilespmem:s26+$0x7B0]  }
0x205: {  	v17 =	vmul.f32 v17, v18;
	v18 =	vld [tilespmem:s26+$0x87B0]  }
0x206: {  	v16 =	vmul.f32 v16, v19;
	_ =	sdelay $0x1  }
0x207: {  	v16 =	vadd.f32 v17, v16;
	v17 =	vmul.f32 v21, v20;
	_ =	sdelay $0x1  }
0x208: {  	v16 =	vadd.f32 v17, v16;
	v17 =	vmul.f32 v18, v22;
	_ =	sdelay $0x1  }
0x209: {  	v16 =	vadd.f32 v17, v16;
	_ =	sdelay $0x1  }
0x20a: {  	[tilespmem:$0x104E0] =	vst v16  }
0x20b: {  	v16 =	vld [tilespmem:s26+$0x7E0]  }
0x20c: {  	v17 =	vld [tilespmem:s26+$0x7C0]  }
.Ltmp0:
0x20d: {  	v18 =	vld [tilespmem:s26+$0x87E0];
	(pc) =	sbr.rel @p0 .LBB2_2-.Ltmp0, $4  }
0x20e: {  	v19 =	vld [tilespmem:s26+$0x87D0]  }
0x20f: {  	v22 =	vld [tilespmem:s26+$0x87C0]  }
0x210: {  	v21 =	vld [tilespmem:s26+$0x7D0]  }
0x211: {  	v20 =	vld [tilespmem:s26+$0x7F0]  }
0x212: {  	_ =	sdelay $0x1  }
0x213: {  	v23 =	vld [tilespmem:s26+$0x87F0]  }
0x214: {  	v17 =	vmul.f32 v22, v17;
	v19 =	vmul.f32 v19, v21;
	_ =	sdelay $0x1  }
0x215: {  	v16 =	vmul.f32 v18, v16;
	v17 =	vadd.f32 v19, v17;
	_ =	sdelay $0x1  }
0x216: {  	v53 =	vmul.f32 v23, v20;
	v16 =	vadd.f32 v16, v17;
	_ =	sdelay $0x1  }
0x217: {  	v16 =	vadd.f32 v53, v16;
	_ =	sdelay $0x1  }
0x218: {  	[tilespmem:$0x104F0] =	vst v16  }
0x219: {  	v16 =	vld.idx.msk [tilespmem:v0+s23+$0x0], $0xffff;
	_ =	sdelay $0x1  }
0x21a: {  	v17 =	vld.idx.msk [tilespmem:v1+s23+$0x0], $0xffff;
	_ =	sdelay $0x1  }
0x21b: {  	v54 =	vld.idx.msk [tilespmem:v2+s23+$0x0], $0xffff  }
0x21c: {  	v16 =	vadd.f32 $0.0e+00, v16  }
0x21d: {  	v55 =	vld.idx.msk [tilespmem:v3+s23+$0x0], $0xffff  }
0x21e: {  	v16 =	vadd.f32 v17, v16  }
0x21f: {  	v17 =	vld.idx.msk [tilespmem:v4+s23+$0x0], $0xffff  }
0x220: {  	v16 =	vadd.f32 v54, v16  }
0x221: {  	v56 =	vld.idx.msk [tilespmem:v5+s23+$0x0], $0xffff  }
0x222: {  	v16 =	vadd.f32 v55, v16  }
0x223: {  	v57 =	vld.idx.msk [tilespmem:v6+s23+$0x0], $0xffff  }
0x224: {  	v16 =	vadd.f32 v17, v16  }
0x225: {  	v17 =	vld.idx.msk [tilespmem:v7+s23+$0x0], $0xffff  }
0x226: {  	v16 =	vadd.f32 v56, v16  }
0x227: {  	v58 =	vld.idx.msk [tilespmem:v8+s23+$0x0], $0xffff  }
0x228: {  	v16 =	vadd.f32 v57, v16  }
0x229: {  	v59 =	vld.idx.msk [tilespmem:v9+s23+$0x0], $0xffff  }
0x22a: {  	v16 =	vadd.f32 v17, v16  }
0x22b: {  	v17 =	vld.idx.msk [tilespmem:v10+s23+$0x0], $0xffff  }
0x22c: {  	v16 =	vadd.f32 v58, v16  }
0x22d: {  	v60 =	vld.idx.msk [tilespmem:v11+s23+$0x0], $0xffff  }
0x22e: {  	v16 =	vadd.f32 v59, v16  }
0x22f: {  	v61 =	vld.idx.msk [tilespmem:v12+s23+$0x0], $0xffff  }
0x230: {  	v16 =	vadd.f32 v17, v16  }
0x231: {  	v17 =	vld.idx.msk [tilespmem:v13+s23+$0x0], $0xffff  }
0x232: {  	v16 =	vadd.f32 v60, v16  }
0x233: {  	v62 =	vld.idx.msk [tilespmem:v14+s23+$0x0], $0xffff  }
0x234: {  	v16 =	vadd.f32 v61, v16  }
0x235: {  	v63 =	vld.idx.msk [tilespmem:v15+s23+$0x0], $0xffff  }
0x236: {  	v16 =	vadd.f32 v17, v16;
	_ =	sdelay $0x1  }
0x237: {  	v16 =	vadd.f32 v62, v16;
	_ =	sdelay $0x1  }
0x238: {  	s25 =	sadd.s32 $0x1, s25;
	v16 =	vadd.f32 v63, v16  }
0x239: {  	p0 =	sne.s32 s25, s14  }
.Ltmp1:
0x23a: {  	[tilespmem:s28+$0x0] =	vst v16;
	(pc) =	sbr.rel @p0 .LBB2_1-.Ltmp1, $4  }
0x23b: {  	[hbm4b:s13+s2] =	stream.linear.scatter [tilespmem:s24], [sflag:$0x3], $0x200, $0x38;
	[tilespmem:$0x10700] =	vst v63  }
0x23c: {  	_ =	swait.ge [sflag:s15], $0x200  }
0x23d: {  	[sflag:s15] =	ssyncset.done $0x0  }
0x23e: {  	[sflag:s15] =	ssyncadd.s32 $0xFFFFFE00  }
0x23f: {  	_ =	sfence.sel $0x180000  }
0x240: {  	[bflag:$0x0] =	sbarrier.arrive $0xFFFF  }
0x241: {  	_ =	strace $0x90000047  }
0x242: {  	s0 =	stileid.u32;
	[bflag:$0x2] =	sbarrier.arrive $0xFFFF  }
0x243: {  	p0 =	sne.s32 s0, $0x0;
	s0 =	rddreg [dreg:$0x4]  }
0x244: {  	s0 =	sadd.s32 @!p0 $0x100000, s0  }
0x245: {  	[sflag:s0] =	ssyncadd.tile.s32 @!p0 $0x1;
	_ =	shalt  }
.Lfunc_end2:
_tile_overlayer_lowered:
.L_overlay_start_2:
0x246: {  	(tag) =	ssettag $0x2  }
0x247: {  	s0 =	rddreg [dreg:$0x0];
	s2 =	stileid.u32  }
0x248: {  	s1 =	rddreg [dreg:$0x1];
	p0 =	sne.s32 s2, $0x0  }
0x249: {  	s3 =	rddreg [dreg:$0x2];
	[bflag:$0x3] =	sbarrier.arrive $0xFFFF;
	s2 =	simm.s32 @!p0 $0x1C03  }
0x24a: {  	[timem:s3], [sflag:s2] =	dma.local @!p0 [hbm:s0], s1  }
0x24b: {  	s0 =	simm.s32 @!p0 $0x3  }
0x24c: {  	_ =	swait.ge @!p0 [sflag:s0], s1  }
0x24d: {  	s1 =	ssub.s32 @!p0 $0x0, s1;
	[sflag:s0] =	ssyncset.done @!p0 $0x0  }
0x24e: {  	[sflag:s0] =	ssyncadd.s32 @!p0 s1  }
0x24f: {  	[bflag:$0x3] =	sbarrier.arrive $0xFFFF  }
0x250: {  	_ =	shalt  }

</sc_bundles>
